<compile_context>
chip_gen: v7x
topology: tpu7x:2x2x1
jax: 0.10.2.dev20260603
libtpu: 0.0.44.dev20260713+nightly
codegen_flags: <defaults>
</compile_context>

<pallas_src>
import jax
import jax.numpy as jnp
from jax import lax
from jax.experimental import pallas as pl
from jax.experimental.pallas import tpu as pltpu
from jax.experimental.pallas import tpu_sc as plsc

_N = 10000
_NP = 10240
_E = 320000
_NC = 2
_NS = 16
_NW = _NC * _NS
_RPT = _NP // _NS
_CHUNK = 128
_NCHUNK = 80
_EP = _NW * _NCHUNK * _CHUNK
_DH = 128
_DO = 64
_NCLS = 40

_mesh = plsc.VectorSubcoreMesh(core_axis_name="c", subcore_axis_name="s")


def _deg_body(dst3, ones_hbm, zeros_hbm, out, didx_v, ones_v, deg_sp):
    c = lax.axis_index("c")
    s = lax.axis_index("s")
    wid = c * _NS + s
    r0 = s * _RPT
    pltpu.sync_copy(zeros_hbm, deg_sp.at[pl.ds(r0, _RPT)])
    pltpu.sync_copy(ones_hbm, ones_v)
    plsc.subcore_barrier()

    def step(j, carry):
        pltpu.sync_copy(dst3.at[wid, j], didx_v)
        pltpu.sync_copy(ones_v, deg_sp.at[didx_v], add=True)
        return carry

    lax.fori_loop(0, _NCHUNK, step, 0)
    plsc.subcore_barrier()
    pltpu.sync_copy(deg_sp.at[pl.ds(r0, _RPT)], out.at[c, pl.ds(r0, _RPT)])


_deg_call = pl.kernel(
    _deg_body,
    out_type=jax.ShapeDtypeStruct((_NC, _NP, 16), jnp.float32),
    mesh=_mesh,
    scratch_types=[
        pltpu.VMEM((_CHUNK,), jnp.int32),
        pltpu.VMEM((_CHUNK, 16), jnp.float32),
        pltpu.VMEM_SHARED((_NP, 16), jnp.float32),
    ],
)

_NBUF = 2
_GRP = 8
_NGRP = _NCHUNK // _GRP


def _make_agg(width):
    def body(h_hbm, src3, dst3, zeros_hbm, out, sidx0, sidx1, didx_v, rows_v,
             agg_sp, sem0, sem1):
        sems = [sem0, sem1]
        sidxs = [sidx0, sidx1]
        c = lax.axis_index("c")
        s = lax.axis_index("s")
        wid = c * _NS + s
        r0 = s * _RPT
        pltpu.sync_copy(zeros_hbm, agg_sp.at[pl.ds(r0, _RPT)])
        plsc.subcore_barrier()

        for b in range(_NBUF):
            pltpu.sync_copy(src3.at[wid, b], sidxs[b])
            pltpu.async_copy(h_hbm.at[sidxs[b]], rows_v.at[b], sems[b])

        def group(g, carry):
            for b in range(_NBUF):
                j = g * _NBUF + b
                pltpu.make_async_copy(h_hbm.at[sidxs[b]], rows_v.at[b],
                                      sems[b]).wait()
                pltpu.sync_copy(dst3.at[wid, j], didx_v)
                pltpu.sync_copy(rows_v.at[b], agg_sp.at[didx_v], add=True)

                @pl.when(j + _NBUF < _NCHUNK)
                def _():
                    pltpu.sync_copy(src3.at[wid, j + _NBUF], sidxs[b])
                    pltpu.async_copy(h_hbm.at[sidxs[b]], rows_v.at[b], sems[b])
            return carry

        lax.fori_loop(0, _NCHUNK // _NBUF, group, 0)
        plsc.subcore_barrier()
        pltpu.sync_copy(agg_sp.at[pl.ds(r0, _RPT)], out.at[c, pl.ds(r0, _RPT)])

    return pl.kernel(
        body,
        out_type=jax.ShapeDtypeStruct((_NC, _NP, width), jnp.float32),
        mesh=_mesh,
        scratch_types=[
            pltpu.VMEM((_CHUNK,), jnp.int32),
            pltpu.VMEM((_CHUNK,), jnp.int32),
            pltpu.VMEM((_CHUNK,), jnp.int32),
            pltpu.VMEM((_NBUF, _CHUNK, width), jnp.float32),
            pltpu.VMEM_SHARED((_NP, width), jnp.float32),
            pltpu.SemaphoreType.DMA,
            pltpu.SemaphoreType.DMA,
        ],
    )


_agg128 = _make_agg(_DH)

_BLK = 1024
_GRID = _NP // _BLK


def _dinv_of(degp_ref):
    deg = degp_ref[0, :, 0:1] + degp_ref[1, :, 0:1] + 1.0
    return lax.rsqrt(deg)


def _h1_body(x_ref, w_ref, degp_ref, out_ref):
    h = jnp.dot(x_ref[...], w_ref[...], preferred_element_type=jnp.float32)
    out_ref[...] = h * _dinv_of(degp_ref)


_h1_call = pl.pallas_call(
    _h1_body,
    grid=(_GRID,),
    in_specs=[
        pl.BlockSpec((_BLK, _DH), lambda i: (i, 0)),
        pl.BlockSpec((_DH, _DH), lambda i: (0, 0)),
        pl.BlockSpec((_NC, _BLK, _DH), lambda i: (0, i, 0)),
    ],
    out_specs=pl.BlockSpec((_BLK, _DH), lambda i: (i, 0)),
    out_shape=jax.ShapeDtypeStruct((_NP, _DH), jnp.float32),
)


def _h2_body(aggp_ref, h1s_ref, degp_ref, b1_ref, out_ref):
    dinv = _dinv_of(degp_ref)
    t = (aggp_ref[0] + aggp_ref[1] + h1s_ref[...]) * dinv + b1_ref[...]
    t = jnp.maximum(t, 0.0)
    out_ref[...] = t * dinv


_h2_call = pl.pallas_call(
    _h2_body,
    grid=(_GRID,),
    in_specs=[
        pl.BlockSpec((_NC, _BLK, _DH), lambda i: (0, i, 0)),
        pl.BlockSpec((_BLK, _DH), lambda i: (i, 0)),
        pl.BlockSpec((_NC, _BLK, _DH), lambda i: (0, i, 0)),
        pl.BlockSpec((1, _DH), lambda i: (0, 0)),
    ],
    out_specs=pl.BlockSpec((_BLK, _DH), lambda i: (i, 0)),
    out_shape=jax.ShapeDtypeStruct((_NP, _DH), jnp.float32),
)


def _out_body(aggp_ref, rs_ref, degp_ref, w2_ref, b2_ref, out_ref):
    dinv = _dinv_of(degp_ref)
    t = (aggp_ref[0] + aggp_ref[1] + rs_ref[...]) * dinv
    o = jnp.dot(t, w2_ref[...], preferred_element_type=jnp.float32) + b2_ref[...]
    col = lax.broadcasted_iota(jnp.int32, o.shape, 1)
    mask = col < _NCLS
    m = jnp.max(jnp.where(mask, o, -jnp.inf), axis=1, keepdims=True)
    sh = o - m
    se = jnp.sum(jnp.where(mask, jnp.exp(sh), 0.0), axis=1, keepdims=True)
    out_ref[...] = sh - jnp.log(se)


_out_call = pl.pallas_call(
    _out_body,
    grid=(_GRID,),
    in_specs=[
        pl.BlockSpec((_NC, _BLK, _DH), lambda i: (0, i, 0)),
        pl.BlockSpec((_BLK, _DH), lambda i: (i, 0)),
        pl.BlockSpec((_NC, _BLK, _DH), lambda i: (0, i, 0)),
        pl.BlockSpec((_DH, _DO), lambda i: (0, 0)),
        pl.BlockSpec((1, _DO), lambda i: (0, 0)),
    ],
    out_specs=pl.BlockSpec((_BLK, _DO), lambda i: (i, 0)),
    out_shape=jax.ShapeDtypeStruct((_NP, _DO), jnp.float32),
)


def kernel(x, edge_index, W1, b1, W2, b2):
    f32 = jnp.float32
    x_pad = jnp.pad(x, ((0, _NP - _N), (0, 0)))
    src = edge_index[0]
    dst = edge_index[1]
    pad_e = _EP - _E
    pad_dst = _N + (jnp.arange(pad_e, dtype=dst.dtype) % (_NP - _N))
    src3 = jnp.concatenate(
        [src, jnp.zeros((pad_e,), src.dtype)]).reshape(_NW, _NCHUNK, _CHUNK)
    dst3 = jnp.concatenate(
        [dst, pad_dst]).reshape(_NW, _NCHUNK, _CHUNK)
    z128 = jnp.zeros((_RPT, _DH), f32)

    ones_tab = jnp.ones((_NP, _DH), f32)
    degp = _agg128(ones_tab, src3, dst3, z128)
    h1s = _h1_call(x_pad, W1, degp)
    agg1p = _agg128(h1s, src3, dst3, z128)
    rs = _h2_call(agg1p, h1s, degp, b1.reshape(1, _DH))
    agg2p = _agg128(rs, src3, dst3, z128)
    w2p = jnp.pad(W2, ((0, 0), (0, _DO - _NCLS)))
    o = _out_call(agg2p, rs, degp, w2p, jnp.pad(b2, (0, _DO - _NCLS)).reshape(1, _DO))
    return o[:_N, :_NCLS]

# --- scband reference (transcript-rebuilt; emitter-appended) ---
"""Pipeline reference for scband-gcn-net-4209067950741 (READ-ONLY COPY).

The authoritative reference and input builder live on the scoring server;
editing this copy changes nothing except your own understanding.
"""

import jax, jax.numpy as jnp
import numpy as np

N = 10000
E = 320000
D_IN = 128
D_HID = 128
D_OUT = 40


def setup_inputs(seed: int = 0) -> dict:
    key = jax.random.key(seed)
    k1, k2, k3, k4, k5, k6 = jax.random.split(key, 6)
    x = jax.random.normal(k1, (N, D_IN), dtype=jnp.float32)
    edge_index = jax.random.randint(k2, (2, E), 0, N, dtype=jnp.int32)
    W1 = jax.random.normal(k3, (D_IN, D_HID), dtype=jnp.float32) * (1.0 / np.sqrt(D_IN))
    b1 = jnp.zeros((D_HID,), dtype=jnp.float32)
    W2 = jax.random.normal(k4, (D_HID, D_OUT), dtype=jnp.float32) * (1.0 / np.sqrt(D_HID))
    b2 = jnp.zeros((D_OUT,), dtype=jnp.float32)
    return {"x": x, "edge_index": edge_index, "W1": W1, "b1": b1, "W2": W2, "b2": b2}


def _gcn_conv(x, src, dst, W, b, num_nodes):
    # x' = D^{-1/2} (A + I) D^{-1/2} x W + b  (PyG GCNConv default)
    h = x @ W
    loop = jnp.arange(num_nodes, dtype=src.dtype)
    s = jnp.concatenate([src, loop])
    d = jnp.concatenate([dst, loop])
    deg = jax.ops.segment_sum(jnp.ones_like(d, dtype=h.dtype), d, num_segments=num_nodes)
    dinv = jnp.where(deg > 0, jax.lax.rsqrt(deg), 0.0)
    norm = dinv[s] * dinv[d]
    msg = h[s] * norm[:, None]
    out = jax.ops.segment_sum(msg, d, num_segments=num_nodes)
    return out + b


def reference(x, edge_index, W1, b1, W2, b2):
    src = edge_index[0]
    dst = edge_index[1]
    h = _gcn_conv(x, src, dst, W1, b1, N)
    h = jax.nn.relu(h)
    # Dropout is identity in eval mode
    o = _gcn_conv(h, src, dst, W2, b2, N)
    return jax.nn.log_softmax(o, axis=1)

if __name__ == "__main__":
    import jax
    _d = setup_inputs()
    print(jax.jit(kernel)(*tuple(_d.values())))

</pallas_src>

<mosaic_0001>
#map = affine_map<(d0, d1) -> (0, 0)>
#map1 = affine_map<(d0, d1) -> (0, 0, 0)>
module attributes {stable_mosaic.version = 14 : i64} {
  func.func @body(%arg0: i32, %arg1: i32, %arg2: memref<10240x128xf32, #tpu.memory_space<hbm>>, %arg3: memref<32x80x128xi32, #tpu.memory_space<hbm>>, %arg4: memref<32x80x128xi32, #tpu.memory_space<hbm>>, %arg5: memref<640x128xf32, #tpu.memory_space<hbm>>, %arg6: memref<2x10240x128xf32, #tpu.memory_space<hbm>>, %arg7: memref<128xi32, #tpu.memory_space<vmem>>, %arg8: memref<128xi32, #tpu.memory_space<vmem>>, %arg9: memref<128xi32, #tpu.memory_space<vmem>>, %arg10: memref<2x128x128xf32, #tpu.memory_space<vmem>>, %arg11: memref<10240x128xf32, #tpu.memory_space<vmem_shared>>, %arg12: memref<!tpu.dma_semaphore, #tpu.memory_space<semaphore_mem>>, %arg13: memref<!tpu.dma_semaphore, #tpu.memory_space<semaphore_mem>>) attributes {dimension_semantics = [#tpu.dimension_semantics<core_parallel>, #tpu.dimension_semantics<subcore_parallel>], iteration_bounds = array<i64: 2, 16>, scalar_prefetch = 0 : i64, scratch_operands = 7 : i64, tpu.core_type = #tpu.core_type<sc_vector_subcore>, window_params = [{transform_indices = #map}, {transform_indices = #map1}, {transform_indices = #map1}, {transform_indices = #map}, {transform_indices = #map1}]} {
    %mul3A = arith.constant 16 : i32
    %mul3A_0 = arith.muli %arg0, %mul3A : i32
    %add3A = arith.addi %mul3A_0, %arg1 : i32
    %mul3A_1 = arith.constant 640 : i32
    %mul3A_2 = arith.muli %arg1, %mul3A_1 : i32
    "tpu.region"() ({
      %run_scoped3A_25 = tpu.sem_alloc : memref<!tpu.dma_semaphore, #tpu.memory_space<semaphore_mem>>
      %dma_start3A_26 = arith.constant 0 : i32
      %dma_start3A_27 = tpu.memref_slice %arg11[%mul3A_2, %dma_start3A_26] : memref<10240x128xf32, #tpu.memory_space<vmem_shared>> -> memref<640x128xf32, #tpu.memory_space<vmem_shared>>
      tpu.enqueue_dma source(%arg5 : memref<640x128xf32, #tpu.memory_space<hbm>>) target(%dma_start3A_27 : memref<640x128xf32, #tpu.memory_space<vmem_shared>>) target_semaphore(%run_scoped3A_25 : memref<!tpu.dma_semaphore, #tpu.memory_space<semaphore_mem>>)
      %dma_wait3A = arith.constant 0 : i32
      %dma_wait3A_28 = tpu.memref_slice %arg11[%mul3A_2, %dma_wait3A] : memref<10240x128xf32, #tpu.memory_space<vmem_shared>> -> memref<640x128xf32, #tpu.memory_space<vmem_shared>>
      tpu.wait_dma2 semaphore(%run_scoped3A_25 : memref<!tpu.dma_semaphore, #tpu.memory_space<semaphore_mem>>) src(%arg5 : memref<640x128xf32, #tpu.memory_space<hbm>>) dst(%dma_wait3A_28 : memref<640x128xf32, #tpu.memory_space<vmem_shared>>)
      tpu.yield
    }) : () -> ()
    %barrier3A = arith.constant 0 : index
    tpu.barrier barrier_id(%barrier3A)
    %run_scoped3A = arith.constant 0 : i32
    "tpu.region"() ({
      %run_scoped3A_25 = tpu.sem_alloc : memref<!tpu.dma_semaphore, #tpu.memory_space<semaphore_mem>>
      %dma_start3A_26 = arith.constant 0 : i32
      %dma_start3A_27 = tpu.memref_slice %arg3[%add3A, %run_scoped3A, %dma_start3A_26] : memref<32x80x128xi32, #tpu.memory_space<hbm>> -> memref<1x1x128xi32, #tpu.memory_space<hbm>>
      %dma_start3A_28 = tpu.memref_squeeze %dma_start3A_27 : memref<1x1x128xi32, #tpu.memory_space<hbm>> -> memref<128xi32, #tpu.memory_space<hbm>>
      %dma_start3A_29 = arith.constant 0 : i32
      %dma_start3A_30 = tpu.memref_slice %arg3[%add3A, %run_scoped3A, %dma_start3A_29] : memref<32x80x128xi32, #tpu.memory_space<hbm>> -> memref<1x1x128xi32, #tpu.memory_space<hbm>>
      %dma_start3A_31 = tpu.memref_squeeze %dma_start3A_30 : memref<1x1x128xi32, #tpu.memory_space<hbm>> -> memref<128xi32, #tpu.memory_space<hbm>>
      tpu.enqueue_dma source(%dma_start3A_31 : memref<128xi32, #tpu.memory_space<hbm>>) target(%arg7 : memref<128xi32, #tpu.memory_space<vmem>>) target_semaphore(%run_scoped3A_25 : memref<!tpu.dma_semaphore, #tpu.memory_space<semaphore_mem>>)
      %dma_wait3A = arith.constant 0 : i32
      %dma_wait3A_32 = tpu.memref_slice %arg3[%add3A, %run_scoped3A, %dma_wait3A] : memref<32x80x128xi32, #tpu.memory_space<hbm>> -> memref<1x1x128xi32, #tpu.memory_space<hbm>>
      %dma_wait3A_33 = tpu.memref_squeeze %dma_wait3A_32 : memref<1x1x128xi32, #tpu.memory_space<hbm>> -> memref<128xi32, #tpu.memory_space<hbm>>
      %dma_wait3A_34 = arith.constant 0 : i32
      %dma_wait3A_35 = tpu.memref_slice %arg3[%add3A, %run_scoped3A, %dma_wait3A_34] : memref<32x80x128xi32, #tpu.memory_space<hbm>> -> memref<1x1x128xi32, #tpu.memory_space<hbm>>
      %dma_wait3A_36 = tpu.memref_squeeze %dma_wait3A_35 : memref<1x1x128xi32, #tpu.memory_space<hbm>> -> memref<128xi32, #tpu.memory_space<hbm>>
      tpu.wait_dma2 semaphore(%run_scoped3A_25 : memref<!tpu.dma_semaphore, #tpu.memory_space<semaphore_mem>>) src(%dma_wait3A_36 : memref<128xi32, #tpu.memory_space<hbm>>) dst(%arg7 : memref<128xi32, #tpu.memory_space<vmem>>)
      tpu.yield
    }) : () -> ()
    %dma_start3A = arith.constant 0 : i32
    %dma_start3A_3 = arith.constant 0 : i32
    %dma_start3A_4 = arith.constant 0 : i32
    %dma_start3A_5 = tpu.memref_slice %arg10[%dma_start3A, %dma_start3A_3, %dma_start3A_4] : memref<2x128x128xf32, #tpu.memory_space<vmem>> -> memref<1x128x128xf32, #tpu.memory_space<vmem>>
    %dma_start3A_6 = tpu.memref_squeeze %dma_start3A_5 : memref<1x128x128xf32, #tpu.memory_space<vmem>> -> memref<128x128xf32, #tpu.memory_space<vmem>>
    %dma_start3A_7 = arith.constant 0 : i32
    %dma_start3A_8 = arith.constant 0 : i32
    %dma_start3A_9 = tpu.memref_slice %arg2[%dma_start3A_7, %dma_start3A_8] : memref<10240x128xf32, #tpu.memory_space<hbm>> -> memref<10240x128xf32, #tpu.memory_space<hbm>>
    tpu.enqueue_indirect_dma source(%dma_start3A_9 : memref<10240x128xf32, #tpu.memory_space<hbm>>) target(%dma_start3A_6 : memref<128x128xf32, #tpu.memory_space<vmem>>) offsets(%arg7 : memref<128xi32, #tpu.memory_space<vmem>>) semaphore(%arg12 : memref<!tpu.dma_semaphore, #tpu.memory_space<semaphore_mem>>)
    %run_scoped3A_10 = arith.constant 1 : i32
    "tpu.region"() ({
      %run_scoped3A_25 = tpu.sem_alloc : memref<!tpu.dma_semaphore, #tpu.memory_space<semaphore_mem>>
      %dma_start3A_26 = arith.constant 0 : i32
      %dma_start3A_27 = tpu.memref_slice %arg3[%add3A, %run_scoped3A_10, %dma_start3A_26] : memref<32x80x128xi32, #tpu.memory_space<hbm>> -> memref<1x1x128xi32, #tpu.memory_space<hbm>>
      %dma_start3A_28 = tpu.memref_squeeze %dma_start3A_27 : memref<1x1x128xi32, #tpu.memory_space<hbm>> -> memref<128xi32, #tpu.memory_space<hbm>>
      %dma_start3A_29 = arith.constant 0 : i32
      %dma_start3A_30 = tpu.memref_slice %arg3[%add3A, %run_scoped3A_10, %dma_start3A_29] : memref<32x80x128xi32, #tpu.memory_space<hbm>> -> memref<1x1x128xi32, #tpu.memory_space<hbm>>
      %dma_start3A_31 = tpu.memref_squeeze %dma_start3A_30 : memref<1x1x128xi32, #tpu.memory_space<hbm>> -> memref<128xi32, #tpu.memory_space<hbm>>
      tpu.enqueue_dma source(%dma_start3A_31 : memref<128xi32, #tpu.memory_space<hbm>>) target(%arg8 : memref<128xi32, #tpu.memory_space<vmem>>) target_semaphore(%run_scoped3A_25 : memref<!tpu.dma_semaphore, #tpu.memory_space<semaphore_mem>>)
      %dma_wait3A = arith.constant 0 : i32
      %dma_wait3A_32 = tpu.memref_slice %arg3[%add3A, %run_scoped3A_10, %dma_wait3A] : memref<32x80x128xi32, #tpu.memory_space<hbm>> -> memref<1x1x128xi32, #tpu.memory_space<hbm>>
      %dma_wait3A_33 = tpu.memref_squeeze %dma_wait3A_32 : memref<1x1x128xi32, #tpu.memory_space<hbm>> -> memref<128xi32, #tpu.memory_space<hbm>>
      %dma_wait3A_34 = arith.constant 0 : i32
      %dma_wait3A_35 = tpu.memref_slice %arg3[%add3A, %run_scoped3A_10, %dma_wait3A_34] : memref<32x80x128xi32, #tpu.memory_space<hbm>> -> memref<1x1x128xi32, #tpu.memory_space<hbm>>
      %dma_wait3A_36 = tpu.memref_squeeze %dma_wait3A_35 : memref<1x1x128xi32, #tpu.memory_space<hbm>> -> memref<128xi32, #tpu.memory_space<hbm>>
      tpu.wait_dma2 semaphore(%run_scoped3A_25 : memref<!tpu.dma_semaphore, #tpu.memory_space<semaphore_mem>>) src(%dma_wait3A_36 : memref<128xi32, #tpu.memory_space<hbm>>) dst(%arg8 : memref<128xi32, #tpu.memory_space<vmem>>)
      tpu.yield
    }) : () -> ()
    %dma_start3A_11 = arith.constant 1 : i32
    %dma_start3A_12 = arith.constant 0 : i32
    %dma_start3A_13 = arith.constant 0 : i32
    %dma_start3A_14 = tpu.memref_slice %arg10[%dma_start3A_11, %dma_start3A_12, %dma_start3A_13] : memref<2x128x128xf32, #tpu.memory_space<vmem>> -> memref<1x128x128xf32, #tpu.memory_space<vmem>>
    %dma_start3A_15 = tpu.memref_squeeze %dma_start3A_14 : memref<1x128x128xf32, #tpu.memory_space<vmem>> -> memref<128x128xf32, #tpu.memory_space<vmem>>
    %dma_start3A_16 = arith.constant 0 : i32
    %dma_start3A_17 = arith.constant 0 : i32
    %dma_start3A_18 = tpu.memref_slice %arg2[%dma_start3A_16, %dma_start3A_17] : memref<10240x128xf32, #tpu.memory_space<hbm>> -> memref<10240x128xf32, #tpu.memory_space<hbm>>
    tpu.enqueue_indirect_dma source(%dma_start3A_18 : memref<10240x128xf32, #tpu.memory_space<hbm>>) target(%dma_start3A_15 : memref<128x128xf32, #tpu.memory_space<vmem>>) offsets(%arg8 : memref<128xi32, #tpu.memory_space<vmem>>) semaphore(%arg13 : memref<!tpu.dma_semaphore, #tpu.memory_space<semaphore_mem>>)
    %scan3A = arith.constant 0 : i32
    %scan3A_19 = arith.constant 0 : i32
    %scan3A_20 = arith.constant 40 : i32
    %scan3A_21 = arith.addi %scan3A_19, %scan3A_20 : i32
    %scan3A_22 = arith.constant 1 : i32
    scf.for %scan3A_25 = %scan3A_19 to %scan3A_21 step %scan3A_22  : i32 {
      %mul3A_26 = arith.constant 2 : i32
      %mul3A_27 = arith.muli %scan3A_25, %mul3A_26 : i32
      %add3A_28 = arith.constant 0 : i32
      %add3A_29 = arith.addi %mul3A_27, %add3A_28 : i32
      %dma_wait3A = arith.constant 0 : i32
      %dma_wait3A_30 = arith.constant 0 : i32
      %dma_wait3A_31 = arith.constant 0 : i32
      %dma_wait3A_32 = tpu.memref_slice %arg10[%dma_wait3A, %dma_wait3A_30, %dma_wait3A_31] : memref<2x128x128xf32, #tpu.memory_space<vmem>> -> memref<1x128x128xf32, #tpu.memory_space<vmem>>
      %dma_wait3A_33 = tpu.memref_squeeze %dma_wait3A_32 : memref<1x128x128xf32, #tpu.memory_space<vmem>> -> memref<128x128xf32, #tpu.memory_space<vmem>>
      %dma_wait3A_34 = arith.constant 0 : i32
      %dma_wait3A_35 = arith.constant 0 : i32
      %dma_wait3A_36 = tpu.memref_slice %arg2[%dma_wait3A_34, %dma_wait3A_35] : memref<10240x128xf32, #tpu.memory_space<hbm>> -> memref<10240x128xf32, #tpu.memory_space<hbm>>
      tpu.wait_indirect_dma semaphore(%arg12 : memref<!tpu.dma_semaphore, #tpu.memory_space<semaphore_mem>>) src(%dma_wait3A_36 : memref<10240x128xf32, #tpu.memory_space<hbm>>) dst(%dma_wait3A_33 : memref<128x128xf32, #tpu.memory_space<vmem>>)
      "tpu.region"() ({
        %run_scoped3A_62 = tpu.sem_alloc : memref<!tpu.dma_semaphore, #tpu.memory_space<semaphore_mem>>
        %dma_start3A_63 = arith.constant 0 : i32
        %dma_start3A_64 = tpu.memref_slice %arg4[%add3A, %add3A_29, %dma_start3A_63] : memref<32x80x128xi32, #tpu.memory_space<hbm>> -> memref<1x1x128xi32, #tpu.memory_space<hbm>>
        %dma_start3A_65 = tpu.memref_squeeze %dma_start3A_64 : memref<1x1x128xi32, #tpu.memory_space<hbm>> -> memref<128xi32, #tpu.memory_space<hbm>>
        %dma_start3A_66 = arith.constant 0 : i32
        %dma_start3A_67 = tpu.memref_slice %arg4[%add3A, %add3A_29, %dma_start3A_66] : memref<32x80x128xi32, #tpu.memory_space<hbm>> -> memref<1x1x128xi32, #tpu.memory_space<hbm>>
        %dma_start3A_68 = tpu.memref_squeeze %dma_start3A_67 : memref<1x1x128xi32, #tpu.memory_space<hbm>> -> memref<128xi32, #tpu.memory_space<hbm>>
        tpu.enqueue_dma source(%dma_start3A_68 : memref<128xi32, #tpu.memory_space<hbm>>) target(%arg9 : memref<128xi32, #tpu.memory_space<vmem>>) target_semaphore(%run_scoped3A_62 : memref<!tpu.dma_semaphore, #tpu.memory_space<semaphore_mem>>)
        %dma_wait3A_69 = arith.constant 0 : i32
        %dma_wait3A_70 = tpu.memref_slice %arg4[%add3A, %add3A_29, %dma_wait3A_69] : memref<32x80x128xi32, #tpu.memory_space<hbm>> -> memref<1x1x128xi32, #tpu.memory_space<hbm>>
        %dma_wait3A_71 = tpu.memref_squeeze %dma_wait3A_70 : memref<1x1x128xi32, #tpu.memory_space<hbm>> -> memref<128xi32, #tpu.memory_space<hbm>>
        %dma_wait3A_72 = arith.constant 0 : i32
        %dma_wait3A_73 = tpu.memref_slice %arg4[%add3A, %add3A_29, %dma_wait3A_72] : memref<32x80x128xi32, #tpu.memory_space<hbm>> -> memref<1x1x128xi32, #tpu.memory_space<hbm>>
        %dma_wait3A_74 = tpu.memref_squeeze %dma_wait3A_73 : memref<1x1x128xi32, #tpu.memory_space<hbm>> -> memref<128xi32, #tpu.memory_space<hbm>>
        tpu.wait_dma2 semaphore(%run_scoped3A_62 : memref<!tpu.dma_semaphore, #tpu.memory_space<semaphore_mem>>) src(%dma_wait3A_74 : memref<128xi32, #tpu.memory_space<hbm>>) dst(%arg9 : memref<128xi32, #tpu.memory_space<vmem>>)
        tpu.yield
      }) : () -> ()
      %run_scoped3A_37 = arith.constant 0 : i32
      "tpu.region"() ({
        %run_scoped3A_62 = tpu.sem_alloc : memref<!tpu.dma_semaphore, #tpu.memory_space<semaphore_mem>>
        %dma_start3A_63 = arith.constant 0 : i32
        %dma_start3A_64 = arith.constant 0 : i32
        %dma_start3A_65 = tpu.memref_slice %arg10[%run_scoped3A_37, %dma_start3A_63, %dma_start3A_64] : memref<2x128x128xf32, #tpu.memory_space<vmem>> -> memref<1x128x128xf32, #tpu.memory_space<vmem>>
        %dma_start3A_66 = tpu.memref_squeeze %dma_start3A_65 : memref<1x128x128xf32, #tpu.memory_space<vmem>> -> memref<128x128xf32, #tpu.memory_space<vmem>>
        %dma_start3A_67 = arith.constant 0 : i32
        %dma_start3A_68 = arith.constant 0 : i32
        %dma_start3A_69 = tpu.memref_slice %arg11[%dma_start3A_67, %dma_start3A_68] : memref<10240x128xf32, #tpu.memory_space<vmem_shared>> -> memref<10240x128xf32, #tpu.memory_space<vmem_shared>>
        tpu.enqueue_indirect_dma source(%dma_start3A_66 : memref<128x128xf32, #tpu.memory_space<vmem>>) target(%dma_start3A_69 : memref<10240x128xf32, #tpu.memory_space<vmem_shared>>) offsets(%arg9 : memref<128xi32, #tpu.memory_space<vmem>>) semaphore(%run_scoped3A_62 : memref<!tpu.dma_semaphore, #tpu.memory_space<semaphore_mem>>) {add = true}
        %dma_wait3A_70 = arith.constant 0 : i32
        %dma_wait3A_71 = arith.constant 0 : i32
        %dma_wait3A_72 = tpu.memref_slice %arg10[%run_scoped3A_37, %dma_wait3A_70, %dma_wait3A_71] : memref<2x128x128xf32, #tpu.memory_space<vmem>> -> memref<1x128x128xf32, #tpu.memory_space<vmem>>
        %dma_wait3A_73 = tpu.memref_squeeze %dma_wait3A_72 : memref<1x128x128xf32, #tpu.memory_space<vmem>> -> memref<128x128xf32, #tpu.memory_space<vmem>>
        %dma_wait3A_74 = arith.constant 0 : i32
        %dma_wait3A_75 = arith.constant 0 : i32
        %dma_wait3A_76 = tpu.memref_slice %arg11[%dma_wait3A_74, %dma_wait3A_75] : memref<10240x128xf32, #tpu.memory_space<vmem_shared>> -> memref<10240x128xf32, #tpu.memory_space<vmem_shared>>
        tpu.wait_indirect_dma semaphore(%run_scoped3A_62 : memref<!tpu.dma_semaphore, #tpu.memory_space<semaphore_mem>>) src(%dma_wait3A_73 : memref<128x128xf32, #tpu.memory_space<vmem>>) dst(%dma_wait3A_76 : memref<10240x128xf32, #tpu.memory_space<vmem_shared>>)
        tpu.yield
      }) : () -> ()
      %add3A_38 = arith.constant 2 : i32
      %add3A_39 = arith.addi %add3A_29, %add3A_38 : i32
      %lt3A = arith.constant 80 : i32
      %lt3A_40 = arith.cmpi slt, %add3A_39, %lt3A : i32
      %convert_element_type3A = arith.extui %lt3A_40 : i1 to i32
      %cond3A = arith.constant 0 : i32
      %cond3A_41 = arith.cmpi ne, %convert_element_type3A, %cond3A : i32
      scf.if %cond3A_41 {
        %add3A_62 = arith.constant 2 : i32
        %add3A_63 = arith.addi %add3A_29, %add3A_62 : i32
        "tpu.region"() ({
          %run_scoped3A_72 = tpu.sem_alloc : memref<!tpu.dma_semaphore, #tpu.memory_space<semaphore_mem>>
          %dma_start3A_73 = arith.constant 0 : i32
          %dma_start3A_74 = tpu.memref_slice %arg3[%add3A, %add3A_63, %dma_start3A_73] : memref<32x80x128xi32, #tpu.memory_space<hbm>> -> memref<1x1x128xi32, #tpu.memory_space<hbm>>
          %dma_start3A_75 = tpu.memref_squeeze %dma_start3A_74 : memref<1x1x128xi32, #tpu.memory_space<hbm>> -> memref<128xi32, #tpu.memory_space<hbm>>
          %dma_start3A_76 = arith.constant 0 : i32
          %dma_start3A_77 = tpu.memref_slice %arg3[%add3A, %add3A_63, %dma_start3A_76] : memref<32x80x128xi32, #tpu.memory_space<hbm>> -> memref<1x1x128xi32, #tpu.memory_space<hbm>>
          %dma_start3A_78 = tpu.memref_squeeze %dma_start3A_77 : memref<1x1x128xi32, #tpu.memory_space<hbm>> -> memref<128xi32, #tpu.memory_space<hbm>>
          tpu.enqueue_dma source(%dma_start3A_78 : memref<128xi32, #tpu.memory_space<hbm>>) target(%arg7 : memref<128xi32, #tpu.memory_space<vmem>>) target_semaphore(%run_scoped3A_72 : memref<!tpu.dma_semaphore, #tpu.memory_space<semaphore_mem>>)
          %dma_wait3A_79 = arith.constant 0 : i32
          %dma_wait3A_80 = tpu.memref_slice %arg3[%add3A, %add3A_63, %dma_wait3A_79] : memref<32x80x128xi32, #tpu.memory_space<hbm>> -> memref<1x1x128xi32, #tpu.memory_space<hbm>>
          %dma_wait3A_81 = tpu.memref_squeeze %dma_wait3A_80 : memref<1x1x128xi32, #tpu.memory_space<hbm>> -> memref<128xi32, #tpu.memory_space<hbm>>
          %dma_wait3A_82 = arith.constant 0 : i32
          %dma_wait3A_83 = tpu.memref_slice %arg3[%add3A, %add3A_63, %dma_wait3A_82] : memref<32x80x128xi32, #tpu.memory_space<hbm>> -> memref<1x1x128xi32, #tpu.memory_space<hbm>>
          %dma_wait3A_84 = tpu.memref_squeeze %dma_wait3A_83 : memref<1x1x128xi32, #tpu.memory_space<hbm>> -> memref<128xi32, #tpu.memory_space<hbm>>
          tpu.wait_dma2 semaphore(%run_scoped3A_72 : memref<!tpu.dma_semaphore, #tpu.memory_space<semaphore_mem>>) src(%dma_wait3A_84 : memref<128xi32, #tpu.memory_space<hbm>>) dst(%arg7 : memref<128xi32, #tpu.memory_space<vmem>>)
          tpu.yield
        }) : () -> ()
        %dma_start3A_64 = arith.constant 0 : i32
        %dma_start3A_65 = arith.constant 0 : i32
        %dma_start3A_66 = arith.constant 0 : i32
        %dma_start3A_67 = tpu.memref_slice %arg10[%dma_start3A_64, %dma_start3A_65, %dma_start3A_66] : memref<2x128x128xf32, #tpu.memory_space<vmem>> -> memref<1x128x128xf32, #tpu.memory_space<vmem>>
        %dma_start3A_68 = tpu.memref_squeeze %dma_start3A_67 : memref<1x128x128xf32, #tpu.memory_space<vmem>> -> memref<128x128xf32, #tpu.memory_space<vmem>>
        %dma_start3A_69 = arith.constant 0 : i32
        %dma_start3A_70 = arith.constant 0 : i32
        %dma_start3A_71 = tpu.memref_slice %arg2[%dma_start3A_69, %dma_start3A_70] : memref<10240x128xf32, #tpu.memory_space<hbm>> -> memref<10240x128xf32, #tpu.memory_space<hbm>>
        tpu.enqueue_indirect_dma source(%dma_start3A_71 : memref<10240x128xf32, #tpu.memory_space<hbm>>) target(%dma_start3A_68 : memref<128x128xf32, #tpu.memory_space<vmem>>) offsets(%arg7 : memref<128xi32, #tpu.memory_space<vmem>>) semaphore(%arg12 : memref<!tpu.dma_semaphore, #tpu.memory_space<semaphore_mem>>)
      } else {
      }
      %mul3A_42 = arith.constant 2 : i32
      %mul3A_43 = arith.muli %scan3A_25, %mul3A_42 : i32
      %add3A_44 = arith.constant 1 : i32
      %add3A_45 = arith.addi %mul3A_43, %add3A_44 : i32
      %dma_wait3A_46 = arith.constant 1 : i32
      %dma_wait3A_47 = arith.constant 0 : i32
      %dma_wait3A_48 = arith.constant 0 : i32
      %dma_wait3A_49 = tpu.memref_slice %arg10[%dma_wait3A_46, %dma_wait3A_47, %dma_wait3A_48] : memref<2x128x128xf32, #tpu.memory_space<vmem>> -> memref<1x128x128xf32, #tpu.memory_space<vmem>>
      %dma_wait3A_50 = tpu.memref_squeeze %dma_wait3A_49 : memref<1x128x128xf32, #tpu.memory_space<vmem>> -> memref<128x128xf32, #tpu.memory_space<vmem>>
      %dma_wait3A_51 = arith.constant 0 : i32
      %dma_wait3A_52 = arith.constant 0 : i32
      %dma_wait3A_53 = tpu.memref_slice %arg2[%dma_wait3A_51, %dma_wait3A_52] : memref<10240x128xf32, #tpu.memory_space<hbm>> -> memref<10240x128xf32, #tpu.memory_space<hbm>>
      tpu.wait_indirect_dma semaphore(%arg13 : memref<!tpu.dma_semaphore, #tpu.memory_space<semaphore_mem>>) src(%dma_wait3A_53 : memref<10240x128xf32, #tpu.memory_space<hbm>>) dst(%dma_wait3A_50 : memref<128x128xf32, #tpu.memory_space<vmem>>)
      "tpu.region"() ({
        %run_scoped3A_62 = tpu.sem_alloc : memref<!tpu.dma_semaphore, #tpu.memory_space<semaphore_mem>>
        %dma_start3A_63 = arith.constant 0 : i32
        %dma_start3A_64 = tpu.memref_slice %arg4[%add3A, %add3A_45, %dma_start3A_63] : memref<32x80x128xi32, #tpu.memory_space<hbm>> -> memref<1x1x128xi32, #tpu.memory_space<hbm>>
        %dma_start3A_65 = tpu.memref_squeeze %dma_start3A_64 : memref<1x1x128xi32, #tpu.memory_space<hbm>> -> memref<128xi32, #tpu.memory_space<hbm>>
        %dma_start3A_66 = arith.constant 0 : i32
        %dma_start3A_67 = tpu.memref_slice %arg4[%add3A, %add3A_45, %dma_start3A_66] : memref<32x80x128xi32, #tpu.memory_space<hbm>> -> memref<1x1x128xi32, #tpu.memory_space<hbm>>
        %dma_start3A_68 = tpu.memref_squeeze %dma_start3A_67 : memref<1x1x128xi32, #tpu.memory_space<hbm>> -> memref<128xi32, #tpu.memory_space<hbm>>
        tpu.enqueue_dma source(%dma_start3A_68 : memref<128xi32, #tpu.memory_space<hbm>>) target(%arg9 : memref<128xi32, #tpu.memory_space<vmem>>) target_semaphore(%run_scoped3A_62 : memref<!tpu.dma_semaphore, #tpu.memory_space<semaphore_mem>>)
        %dma_wait3A_69 = arith.constant 0 : i32
        %dma_wait3A_70 = tpu.memref_slice %arg4[%add3A, %add3A_45, %dma_wait3A_69] : memref<32x80x128xi32, #tpu.memory_space<hbm>> -> memref<1x1x128xi32, #tpu.memory_space<hbm>>
        %dma_wait3A_71 = tpu.memref_squeeze %dma_wait3A_70 : memref<1x1x128xi32, #tpu.memory_space<hbm>> -> memref<128xi32, #tpu.memory_space<hbm>>
        %dma_wait3A_72 = arith.constant 0 : i32
        %dma_wait3A_73 = tpu.memref_slice %arg4[%add3A, %add3A_45, %dma_wait3A_72] : memref<32x80x128xi32, #tpu.memory_space<hbm>> -> memref<1x1x128xi32, #tpu.memory_space<hbm>>
        %dma_wait3A_74 = tpu.memref_squeeze %dma_wait3A_73 : memref<1x1x128xi32, #tpu.memory_space<hbm>> -> memref<128xi32, #tpu.memory_space<hbm>>
        tpu.wait_dma2 semaphore(%run_scoped3A_62 : memref<!tpu.dma_semaphore, #tpu.memory_space<semaphore_mem>>) src(%dma_wait3A_74 : memref<128xi32, #tpu.memory_space<hbm>>) dst(%arg9 : memref<128xi32, #tpu.memory_space<vmem>>)
        tpu.yield
      }) : () -> ()
      %run_scoped3A_54 = arith.constant 1 : i32
      "tpu.region"() ({
        %run_scoped3A_62 = tpu.sem_alloc : memref<!tpu.dma_semaphore, #tpu.memory_space<semaphore_mem>>
        %dma_start3A_63 = arith.constant 0 : i32
        %dma_start3A_64 = arith.constant 0 : i32
        %dma_start3A_65 = tpu.memref_slice %arg10[%run_scoped3A_54, %dma_start3A_63, %dma_start3A_64] : memref<2x128x128xf32, #tpu.memory_space<vmem>> -> memref<1x128x128xf32, #tpu.memory_space<vmem>>
        %dma_start3A_66 = tpu.memref_squeeze %dma_start3A_65 : memref<1x128x128xf32, #tpu.memory_space<vmem>> -> memref<128x128xf32, #tpu.memory_space<vmem>>
        %dma_start3A_67 = arith.constant 0 : i32
        %dma_start3A_68 = arith.constant 0 : i32
        %dma_start3A_69 = tpu.memref_slice %arg11[%dma_start3A_67, %dma_start3A_68] : memref<10240x128xf32, #tpu.memory_space<vmem_shared>> -> memref<10240x128xf32, #tpu.memory_space<vmem_shared>>
        tpu.enqueue_indirect_dma source(%dma_start3A_66 : memref<128x128xf32, #tpu.memory_space<vmem>>) target(%dma_start3A_69 : memref<10240x128xf32, #tpu.memory_space<vmem_shared>>) offsets(%arg9 : memref<128xi32, #tpu.memory_space<vmem>>) semaphore(%run_scoped3A_62 : memref<!tpu.dma_semaphore, #tpu.memory_space<semaphore_mem>>) {add = true}
        %dma_wait3A_70 = arith.constant 0 : i32
        %dma_wait3A_71 = arith.constant 0 : i32
        %dma_wait3A_72 = tpu.memref_slice %arg10[%run_scoped3A_54, %dma_wait3A_70, %dma_wait3A_71] : memref<2x128x128xf32, #tpu.memory_space<vmem>> -> memref<1x128x128xf32, #tpu.memory_space<vmem>>
        %dma_wait3A_73 = tpu.memref_squeeze %dma_wait3A_72 : memref<1x128x128xf32, #tpu.memory_space<vmem>> -> memref<128x128xf32, #tpu.memory_space<vmem>>
        %dma_wait3A_74 = arith.constant 0 : i32
        %dma_wait3A_75 = arith.constant 0 : i32
        %dma_wait3A_76 = tpu.memref_slice %arg11[%dma_wait3A_74, %dma_wait3A_75] : memref<10240x128xf32, #tpu.memory_space<vmem_shared>> -> memref<10240x128xf32, #tpu.memory_space<vmem_shared>>
        tpu.wait_indirect_dma semaphore(%run_scoped3A_62 : memref<!tpu.dma_semaphore, #tpu.memory_space<semaphore_mem>>) src(%dma_wait3A_73 : memref<128x128xf32, #tpu.memory_space<vmem>>) dst(%dma_wait3A_76 : memref<10240x128xf32, #tpu.memory_space<vmem_shared>>)
        tpu.yield
      }) : () -> ()
      %add3A_55 = arith.constant 2 : i32
      %add3A_56 = arith.addi %add3A_45, %add3A_55 : i32
      %lt3A_57 = arith.constant 80 : i32
      %lt3A_58 = arith.cmpi slt, %add3A_56, %lt3A_57 : i32
      %convert_element_type3A_59 = arith.extui %lt3A_58 : i1 to i32
      %cond3A_60 = arith.constant 0 : i32
      %cond3A_61 = arith.cmpi ne, %convert_element_type3A_59, %cond3A_60 : i32
      scf.if %cond3A_61 {
        %add3A_62 = arith.constant 2 : i32
        %add3A_63 = arith.addi %add3A_45, %add3A_62 : i32
        "tpu.region"() ({
          %run_scoped3A_72 = tpu.sem_alloc : memref<!tpu.dma_semaphore, #tpu.memory_space<semaphore_mem>>
          %dma_start3A_73 = arith.constant 0 : i32
          %dma_start3A_74 = tpu.memref_slice %arg3[%add3A, %add3A_63, %dma_start3A_73] : memref<32x80x128xi32, #tpu.memory_space<hbm>> -> memref<1x1x128xi32, #tpu.memory_space<hbm>>
          %dma_start3A_75 = tpu.memref_squeeze %dma_start3A_74 : memref<1x1x128xi32, #tpu.memory_space<hbm>> -> memref<128xi32, #tpu.memory_space<hbm>>
          %dma_start3A_76 = arith.constant 0 : i32
          %dma_start3A_77 = tpu.memref_slice %arg3[%add3A, %add3A_63, %dma_start3A_76] : memref<32x80x128xi32, #tpu.memory_space<hbm>> -> memref<1x1x128xi32, #tpu.memory_space<hbm>>
          %dma_start3A_78 = tpu.memref_squeeze %dma_start3A_77 : memref<1x1x128xi32, #tpu.memory_space<hbm>> -> memref<128xi32, #tpu.memory_space<hbm>>
          tpu.enqueue_dma source(%dma_start3A_78 : memref<128xi32, #tpu.memory_space<hbm>>) target(%arg8 : memref<128xi32, #tpu.memory_space<vmem>>) target_semaphore(%run_scoped3A_72 : memref<!tpu.dma_semaphore, #tpu.memory_space<semaphore_mem>>)
          %dma_wait3A_79 = arith.constant 0 : i32
          %dma_wait3A_80 = tpu.memref_slice %arg3[%add3A, %add3A_63, %dma_wait3A_79] : memref<32x80x128xi32, #tpu.memory_space<hbm>> -> memref<1x1x128xi32, #tpu.memory_space<hbm>>
          %dma_wait3A_81 = tpu.memref_squeeze %dma_wait3A_80 : memref<1x1x128xi32, #tpu.memory_space<hbm>> -> memref<128xi32, #tpu.memory_space<hbm>>
          %dma_wait3A_82 = arith.constant 0 : i32
          %dma_wait3A_83 = tpu.memref_slice %arg3[%add3A, %add3A_63, %dma_wait3A_82] : memref<32x80x128xi32, #tpu.memory_space<hbm>> -> memref<1x1x128xi32, #tpu.memory_space<hbm>>
          %dma_wait3A_84 = tpu.memref_squeeze %dma_wait3A_83 : memref<1x1x128xi32, #tpu.memory_space<hbm>> -> memref<128xi32, #tpu.memory_space<hbm>>
          tpu.wait_dma2 semaphore(%run_scoped3A_72 : memref<!tpu.dma_semaphore, #tpu.memory_space<semaphore_mem>>) src(%dma_wait3A_84 : memref<128xi32, #tpu.memory_space<hbm>>) dst(%arg8 : memref<128xi32, #tpu.memory_space<vmem>>)
          tpu.yield
        }) : () -> ()
        %dma_start3A_64 = arith.constant 1 : i32
        %dma_start3A_65 = arith.constant 0 : i32
        %dma_start3A_66 = arith.constant 0 : i32
        %dma_start3A_67 = tpu.memref_slice %arg10[%dma_start3A_64, %dma_start3A_65, %dma_start3A_66] : memref<2x128x128xf32, #tpu.memory_space<vmem>> -> memref<1x128x128xf32, #tpu.memory_space<vmem>>
        %dma_start3A_68 = tpu.memref_squeeze %dma_start3A_67 : memref<1x128x128xf32, #tpu.memory_space<vmem>> -> memref<128x128xf32, #tpu.memory_space<vmem>>
        %dma_start3A_69 = arith.constant 0 : i32
        %dma_start3A_70 = arith.constant 0 : i32
        %dma_start3A_71 = tpu.memref_slice %arg2[%dma_start3A_69, %dma_start3A_70] : memref<10240x128xf32, #tpu.memory_space<hbm>> -> memref<10240x128xf32, #tpu.memory_space<hbm>>
        tpu.enqueue_indirect_dma source(%dma_start3A_71 : memref<10240x128xf32, #tpu.memory_space<hbm>>) target(%dma_start3A_68 : memref<128x128xf32, #tpu.memory_space<vmem>>) offsets(%arg8 : memref<128xi32, #tpu.memory_space<vmem>>) semaphore(%arg13 : memref<!tpu.dma_semaphore, #tpu.memory_space<semaphore_mem>>)
      } else {
      }
    }
    %scan3A_23 = arith.constant 40 : i32
    %barrier3A_24 = arith.constant 0 : index
    tpu.barrier barrier_id(%barrier3A_24)
    "tpu.region"() ({
      %run_scoped3A_25 = tpu.sem_alloc : memref<!tpu.dma_semaphore, #tpu.memory_space<semaphore_mem>>
      %dma_start3A_26 = arith.constant 0 : i32
      %dma_start3A_27 = tpu.memref_slice %arg6[%arg0, %mul3A_2, %dma_start3A_26] : memref<2x10240x128xf32, #tpu.memory_space<hbm>> -> memref<1x640x128xf32, #tpu.memory_space<hbm>>
      %dma_start3A_28 = tpu.memref_squeeze %dma_start3A_27 : memref<1x640x128xf32, #tpu.memory_space<hbm>> -> memref<640x128xf32, #tpu.memory_space<hbm>>
      %dma_start3A_29 = arith.constant 0 : i32
      %dma_start3A_30 = tpu.memref_slice %arg11[%mul3A_2, %dma_start3A_29] : memref<10240x128xf32, #tpu.memory_space<vmem_shared>> -> memref<640x128xf32, #tpu.memory_space<vmem_shared>>
      tpu.enqueue_dma source(%dma_start3A_30 : memref<640x128xf32, #tpu.memory_space<vmem_shared>>) target(%dma_start3A_28 : memref<640x128xf32, #tpu.memory_space<hbm>>) target_semaphore(%run_scoped3A_25 : memref<!tpu.dma_semaphore, #tpu.memory_space<semaphore_mem>>)
      %dma_wait3A = arith.constant 0 : i32
      %dma_wait3A_31 = tpu.memref_slice %arg6[%arg0, %mul3A_2, %dma_wait3A] : memref<2x10240x128xf32, #tpu.memory_space<hbm>> -> memref<1x640x128xf32, #tpu.memory_space<hbm>>
      %dma_wait3A_32 = tpu.memref_squeeze %dma_wait3A_31 : memref<1x640x128xf32, #tpu.memory_space<hbm>> -> memref<640x128xf32, #tpu.memory_space<hbm>>
      %dma_wait3A_33 = arith.constant 0 : i32
      %dma_wait3A_34 = tpu.memref_slice %arg11[%mul3A_2, %dma_wait3A_33] : memref<10240x128xf32, #tpu.memory_space<vmem_shared>> -> memref<640x128xf32, #tpu.memory_space<vmem_shared>>
      tpu.wait_dma2 semaphore(%run_scoped3A_25 : memref<!tpu.dma_semaphore, #tpu.memory_space<semaphore_mem>>) src(%dma_wait3A_34 : memref<640x128xf32, #tpu.memory_space<vmem_shared>>) dst(%dma_wait3A_32 : memref<640x128xf32, #tpu.memory_space<hbm>>)
      tpu.yield
    }) : () -> ()
    return
  }
}

#map = affine_map<(d0, d1) -> (0, 0)>
#map1 = affine_map<(d0, d1) -> (0, 0, 0)>
module attributes {stable_mosaic.version = 14 : i64} {
  func.func @body(%arg0: i32, %arg1: i32, %arg2: memref<10240x128xf32, #tpu.memory_space<hbm>>, %arg3: memref<32x80x128xi32, #tpu.memory_space<hbm>>, %arg4: memref<32x80x128xi32, #tpu.memory_space<hbm>>, %arg5: memref<640x128xf32, #tpu.memory_space<hbm>>, %arg6: memref<2x10240x128xf32, #tpu.memory_space<hbm>>, %arg7: memref<128xi32, #tpu.memory_space<vmem>>, %arg8: memref<128xi32, #tpu.memory_space<vmem>>, %arg9: memref<128xi32, #tpu.memory_space<vmem>>, %arg10: memref<2x128x128xf32, #tpu.memory_space<vmem>>, %arg11: memref<10240x128xf32, #tpu.memory_space<vmem_shared>>, %arg12: memref<!tpu.dma_semaphore, #tpu.memory_space<semaphore_mem>>, %arg13: memref<!tpu.dma_semaphore, #tpu.memory_space<semaphore_mem>>) attributes {dimension_semantics = [#tpu.dimension_semantics<core_parallel>, #tpu.dimension_semantics<subcore_parallel>], iteration_bounds = array<i64: 2, 16>, scalar_prefetch = 0 : i64, scratch_operands = 7 : i64, tpu.core_type = #tpu.core_type<sc_vector_subcore>, window_params = [{transform_indices = #map}, {transform_indices = #map1}, {transform_indices = #map1}, {transform_indices = #map}, {transform_indices = #map1}]} {
    %mul3A = arith.constant 16 : i32
    %mul3A_0 = arith.muli %arg0, %mul3A : i32
    %add3A = arith.addi %mul3A_0, %arg1 : i32
    %mul3A_1 = arith.constant 640 : i32
    %mul3A_2 = arith.muli %arg1, %mul3A_1 : i32
    "tpu.region"() ({
      %run_scoped3A_25 = tpu.sem_alloc : memref<!tpu.dma_semaphore, #tpu.memory_space<semaphore_mem>>
      %dma_start3A_26 = arith.constant 0 : i32
      %dma_start3A_27 = tpu.memref_slice %arg11[%mul3A_2, %dma_start3A_26] : memref<10240x128xf32, #tpu.memory_space<vmem_shared>> -> memref<640x128xf32, #tpu.memory_space<vmem_shared>>
      tpu.enqueue_dma source(%arg5 : memref<640x128xf32, #tpu.memory_space<hbm>>) target(%dma_start3A_27 : memref<640x128xf32, #tpu.memory_space<vmem_shared>>) target_semaphore(%run_scoped3A_25 : memref<!tpu.dma_semaphore, #tpu.memory_space<semaphore_mem>>)
      %dma_wait3A = arith.constant 0 : i32
      %dma_wait3A_28 = tpu.memref_slice %arg11[%mul3A_2, %dma_wait3A] : memref<10240x128xf32, #tpu.memory_space<vmem_shared>> -> memref<640x128xf32, #tpu.memory_space<vmem_shared>>
      tpu.wait_dma2 semaphore(%run_scoped3A_25 : memref<!tpu.dma_semaphore, #tpu.memory_space<semaphore_mem>>) src(%arg5 : memref<640x128xf32, #tpu.memory_space<hbm>>) dst(%dma_wait3A_28 : memref<640x128xf32, #tpu.memory_space<vmem_shared>>)
      tpu.yield
    }) : () -> ()
    %barrier3A = arith.constant 0 : index
    tpu.barrier barrier_id(%barrier3A)
    %run_scoped3A = arith.constant 0 : i32
    "tpu.region"() ({
      %run_scoped3A_25 = tpu.sem_alloc : memref<!tpu.dma_semaphore, #tpu.memory_space<semaphore_mem>>
      %dma_start3A_26 = arith.constant 0 : i32
      %dma_start3A_27 = tpu.memref_slice %arg3[%add3A, %run_scoped3A, %dma_start3A_26] : memref<32x80x128xi32, #tpu.memory_space<hbm>> -> memref<1x1x128xi32, #tpu.memory_space<hbm>>
      %dma_start3A_28 = tpu.memref_squeeze %dma_start3A_27 : memref<1x1x128xi32, #tpu.memory_space<hbm>> -> memref<128xi32, #tpu.memory_space<hbm>>
      %dma_start3A_29 = arith.constant 0 : i32
      %dma_start3A_30 = tpu.memref_slice %arg3[%add3A, %run_scoped3A, %dma_start3A_29] : memref<32x80x128xi32, #tpu.memory_space<hbm>> -> memref<1x1x128xi32, #tpu.memory_space<hbm>>
      %dma_start3A_31 = tpu.memref_squeeze %dma_start3A_30 : memref<1x1x128xi32, #tpu.memory_space<hbm>> -> memref<128xi32, #tpu.memory_space<hbm>>
      tpu.enqueue_dma source(%dma_start3A_31 : memref<128xi32, #tpu.memory_space<hbm>>) target(%arg7 : memref<128xi32, #tpu.memory_space<vmem>>) target_semaphore(%run_scoped3A_25 : memref<!tpu.dma_semaphore, #tpu.memory_space<semaphore_mem>>)
      %dma_wait3A = arith.constant 0 : i32
      %dma_wait3A_32 = tpu.memref_slice %arg3[%add3A, %run_scoped3A, %dma_wait3A] : memref<32x80x128xi32, #tpu.memory_space<hbm>> -> memref<1x1x128xi32, #tpu.memory_space<hbm>>
      %dma_wait3A_33 = tpu.memref_squeeze %dma_wait3A_32 : memref<1x1x128xi32, #tpu.memory_space<hbm>> -> memref<128xi32, #tpu.memory_space<hbm>>
      %dma_wait3A_34 = arith.constant 0 : i32
      %dma_wait3A_35 = tpu.memref_slice %arg3[%add3A, %run_scoped3A, %dma_wait3A_34] : memref<32x80x128xi32, #tpu.memory_space<hbm>> -> memref<1x1x128xi32, #tpu.memory_space<hbm>>
      %dma_wait3A_36 = tpu.memref_squeeze %dma_wait3A_35 : memref<1x1x128xi32, #tpu.memory_space<hbm>> -> memref<128xi32, #tpu.memory_space<hbm>>
      tpu.wait_dma2 semaphore(%run_scoped3A_25 : memref<!tpu.dma_semaphore, #tpu.memory_space<semaphore_mem>>) src(%dma_wait3A_36 : memref<128xi32, #tpu.memory_space<hbm>>) dst(%arg7 : memref<128xi32, #tpu.memory_space<vmem>>)
      tpu.yield
    }) : () -> ()
    %dma_start3A = arith.constant 0 : i32
    %dma_start3A_3 = arith.constant 0 : i32
    %dma_start3A_4 = arith.constant 0 : i32
    %dma_start3A_5 = tpu.memref_slice %arg10[%dma_start3A, %dma_start3A_3, %dma_start3A_4] : memref<2x128x128xf32, #tpu.memory_space<vmem>> -> memref<1x128x128xf32, #tpu.memory_space<vmem>>
    %dma_start3A_6 = tpu.memref_squeeze %dma_start3A_5 : memref<1x128x128xf32, #tpu.memory_space<vmem>> -> memref<128x128xf32, #tpu.memory_space<vmem>>
    %dma_start3A_7 = arith.constant 0 : i32
    %dma_start3A_8 = arith.constant 0 : i32
    %dma_start3A_9 = tpu.memref_slice %arg2[%dma_start3A_7, %dma_start3A_8] : memref<10240x128xf32, #tpu.memory_space<hbm>> -> memref<10240x128xf32, #tpu.memory_space<hbm>>
    tpu.enqueue_indirect_dma source(%dma_start3A_9 : memref<10240x128xf32, #tpu.memory_space<hbm>>) target(%dma_start3A_6 : memref<128x128xf32, #tpu.memory_space<vmem>>) offsets(%arg7 : memref<128xi32, #tpu.memory_space<vmem>>) semaphore(%arg12 : memref<!tpu.dma_semaphore, #tpu.memory_space<semaphore_mem>>)
    %run_scoped3A_10 = arith.constant 1 : i32
    "tpu.region"() ({
      %run_scoped3A_25 = tpu.sem_alloc : memref<!tpu.dma_semaphore, #tpu.memory_space<semaphore_mem>>
      %dma_start3A_26 = arith.constant 0 : i32
      %dma_start3A_27 = tpu.memref_slice %arg3[%add3A, %run_scoped3A_10, %dma_start3A_26] : memref<32x80x128xi32, #tpu.memory_space<hbm>> -> memref<1x1x128xi32, #tpu.memory_space<hbm>>
      %dma_start3A_28 = tpu.memref_squeeze %dma_start3A_27 : memref<1x1x128xi32, #tpu.memory_space<hbm>> -> memref<128xi32, #tpu.memory_space<hbm>>
      %dma_start3A_29 = arith.constant 0 : i32
      %dma_start3A_30 = tpu.memref_slice %arg3[%add3A, %run_scoped3A_10, %dma_start3A_29] : memref<32x80x128xi32, #tpu.memory_space<hbm>> -> memref<1x1x128xi32, #tpu.memory_space<hbm>>
      %dma_start3A_31 = tpu.memref_squeeze %dma_start3A_30 : memref<1x1x128xi32, #tpu.memory_space<hbm>> -> memref<128xi32, #tpu.memory_space<hbm>>
      tpu.enqueue_dma source(%dma_start3A_31 : memref<128xi32, #tpu.memory_space<hbm>>) target(%arg8 : memref<128xi32, #tpu.memory_space<vmem>>) target_semaphore(%run_scoped3A_25 : memref<!tpu.dma_semaphore, #tpu.memory_space<semaphore_mem>>)
      %dma_wait3A = arith.constant 0 : i32
      %dma_wait3A_32 = tpu.memref_slice %arg3[%add3A, %run_scoped3A_10, %dma_wait3A] : memref<32x80x128xi32, #tpu.memory_space<hbm>> -> memref<1x1x128xi32, #tpu.memory_space<hbm>>
      %dma_wait3A_33 = tpu.memref_squeeze %dma_wait3A_32 : memref<1x1x128xi32, #tpu.memory_space<hbm>> -> memref<128xi32, #tpu.memory_space<hbm>>
      %dma_wait3A_34 = arith.constant 0 : i32
      %dma_wait3A_35 = tpu.memref_slice %arg3[%add3A, %run_scoped3A_10, %dma_wait3A_34] : memref<32x80x128xi32, #tpu.memory_space<hbm>> -> memref<1x1x128xi32, #tpu.memory_space<hbm>>
      %dma_wait3A_36 = tpu.memref_squeeze %dma_wait3A_35 : memref<1x1x128xi32, #tpu.memory_space<hbm>> -> memref<128xi32, #tpu.memory_space<hbm>>
      tpu.wait_dma2 semaphore(%run_scoped3A_25 : memref<!tpu.dma_semaphore, #tpu.memory_space<semaphore_mem>>) src(%dma_wait3A_36 : memref<128xi32, #tpu.memory_space<hbm>>) dst(%arg8 : memref<128xi32, #tpu.memory_space<vmem>>)
      tpu.yield
    }) : () -> ()
    %dma_start3A_11 = arith.constant 1 : i32
    %dma_start3A_12 = arith.constant 0 : i32
    %dma_start3A_13 = arith.constant 0 : i32
    %dma_start3A_14 = tpu.memref_slice %arg10[%dma_start3A_11, %dma_start3A_12, %dma_start3A_13] : memref<2x128x128xf32, #tpu.memory_space<vmem>> -> memref<1x128x128xf32, #tpu.memory_space<vmem>>
    %dma_start3A_15 = tpu.memref_squeeze %dma_start3A_14 : memref<1x128x128xf32, #tpu.memory_space<vmem>> -> memref<128x128xf32, #tpu.memory_space<vmem>>
    %dma_start3A_16 = arith.constant 0 : i32
    %dma_start3A_17 = arith.constant 0 : i32
    %dma_start3A_18 = tpu.memref_slice %arg2[%dma_start3A_16, %dma_start3A_17] : memref<10240x128xf32, #tpu.memory_space<hbm>> -> memref<10240x128xf32, #tpu.memory_space<hbm>>
    tpu.enqueue_indirect_dma source(%dma_start3A_18 : memref<10240x128xf32, #tpu.memory_space<hbm>>) target(%dma_start3A_15 : memref<128x128xf32, #tpu.memory_space<vmem>>) offsets(%arg8 : memref<128xi32, #tpu.memory_space<vmem>>) semaphore(%arg13 : memref<!tpu.dma_semaphore, #tpu.memory_space<semaphore_mem>>)
    %scan3A = arith.constant 0 : i32
    %scan3A_19 = arith.constant 0 : i32
    %scan3A_20 = arith.constant 40 : i32
    %scan3A_21 = arith.addi %scan3A_19, %scan3A_20 : i32
    %scan3A_22 = arith.constant 1 : i32
    scf.for %scan3A_25 = %scan3A_19 to %scan3A_21 step %scan3A_22  : i32 {
      %mul3A_26 = arith.constant 2 : i32
      %mul3A_27 = arith.muli %scan3A_25, %mul3A_26 : i32
      %add3A_28 = arith.constant 0 : i32
      %add3A_29 = arith.addi %mul3A_27, %add3A_28 : i32
      %dma_wait3A = arith.constant 0 : i32
      %dma_wait3A_30 = arith.constant 0 : i32
      %dma_wait3A_31 = arith.constant 0 : i32
      %dma_wait3A_32 = tpu.memref_slice %arg10[%dma_wait3A, %dma_wait3A_30, %dma_wait3A_31] : memref<2x128x128xf32, #tpu.memory_space<vmem>> -> memref<1x128x128xf32, #tpu.memory_space<vmem>>
      %dma_wait3A_33 = tpu.memref_squeeze %dma_wait3A_32 : memref<1x128x128xf32, #tpu.memory_space<vmem>> -> memref<128x128xf32, #tpu.memory_space<vmem>>
      %dma_wait3A_34 = arith.constant 0 : i32
      %dma_wait3A_35 = arith.constant 0 : i32
      %dma_wait3A_36 = tpu.memref_slice %arg2[%dma_wait3A_34, %dma_wait3A_35] : memref<10240x128xf32, #tpu.memory_space<hbm>> -> memref<10240x128xf32, #tpu.memory_space<hbm>>
      tpu.wait_indirect_dma semaphore(%arg12 : memref<!tpu.dma_semaphore, #tpu.memory_space<semaphore_mem>>) src(%dma_wait3A_36 : memref<10240x128xf32, #tpu.memory_space<hbm>>) dst(%dma_wait3A_33 : memref<128x128xf32, #tpu.memory_space<vmem>>)
      "tpu.region"() ({
        %run_scoped3A_62 = tpu.sem_alloc : memref<!tpu.dma_semaphore, #tpu.memory_space<semaphore_mem>>
        %dma_start3A_63 = arith.constant 0 : i32
        %dma_start3A_64 = tpu.memref_slice %arg4[%add3A, %add3A_29, %dma_start3A_63] : memref<32x80x128xi32, #tpu.memory_space<hbm>> -> memref<1x1x128xi32, #tpu.memory_space<hbm>>
        %dma_start3A_65 = tpu.memref_squeeze %dma_start3A_64 : memref<1x1x128xi32, #tpu.memory_space<hbm>> -> memref<128xi32, #tpu.memory_space<hbm>>
        %dma_start3A_66 = arith.constant 0 : i32
        %dma_start3A_67 = tpu.memref_slice %arg4[%add3A, %add3A_29, %dma_start3A_66] : memref<32x80x128xi32, #tpu.memory_space<hbm>> -> memref<1x1x128xi32, #tpu.memory_space<hbm>>
        %dma_start3A_68 = tpu.memref_squeeze %dma_start3A_67 : memref<1x1x128xi32, #tpu.memory_space<hbm>> -> memref<128xi32, #tpu.memory_space<hbm>>
        tpu.enqueue_dma source(%dma_start3A_68 : memref<128xi32, #tpu.memory_space<hbm>>) target(%arg9 : memref<128xi32, #tpu.memory_space<vmem>>) target_semaphore(%run_scoped3A_62 : memref<!tpu.dma_semaphore, #tpu.memory_space<semaphore_mem>>)
        %dma_wait3A_69 = arith.constant 0 : i32
        %dma_wait3A_70 = tpu.memref_slice %arg4[%add3A, %add3A_29, %dma_wait3A_69] : memref<32x80x128xi32, #tpu.memory_space<hbm>> -> memref<1x1x128xi32, #tpu.memory_space<hbm>>
        %dma_wait3A_71 = tpu.memref_squeeze %dma_wait3A_70 : memref<1x1x128xi32, #tpu.memory_space<hbm>> -> memref<128xi32, #tpu.memory_space<hbm>>
        %dma_wait3A_72 = arith.constant 0 : i32
        %dma_wait3A_73 = tpu.memref_slice %arg4[%add3A, %add3A_29, %dma_wait3A_72] : memref<32x80x128xi32, #tpu.memory_space<hbm>> -> memref<1x1x128xi32, #tpu.memory_space<hbm>>
        %dma_wait3A_74 = tpu.memref_squeeze %dma_wait3A_73 : memref<1x1x128xi32, #tpu.memory_space<hbm>> -> memref<128xi32, #tpu.memory_space<hbm>>
        tpu.wait_dma2 semaphore(%run_scoped3A_62 : memref<!tpu.dma_semaphore, #tpu.memory_space<semaphore_mem>>) src(%dma_wait3A_74 : memref<128xi32, #tpu.memory_space<hbm>>) dst(%arg9 : memref<128xi32, #tpu.memory_space<vmem>>)
        tpu.yield
      }) : () -> ()
      %run_scoped3A_37 = arith.constant 0 : i32
      "tpu.region"() ({
        %run_scoped3A_62 = tpu.sem_alloc : memref<!tpu.dma_semaphore, #tpu.memory_space<semaphore_mem>>
        %dma_start3A_63 = arith.constant 0 : i32
        %dma_start3A_64 = arith.constant 0 : i32
        %dma_start3A_65 = tpu.memref_slice %arg10[%run_scoped3A_37, %dma_start3A_63, %dma_start3A_64] : memref<2x128x128xf32, #tpu.memory_space<vmem>> -> memref<1x128x128xf32, #tpu.memory_space<vmem>>
        %dma_start3A_66 = tpu.memref_squeeze %dma_start3A_65 : memref<1x128x128xf32, #tpu.memory_space<vmem>> -> memref<128x128xf32, #tpu.memory_space<vmem>>
        %dma_start3A_67 = arith.constant 0 : i32
        %dma_start3A_68 = arith.constant 0 : i32
        %dma_start3A_69 = tpu.memref_slice %arg11[%dma_start3A_67, %dma_start3A_68] : memref<10240x128xf32, #tpu.memory_space<vmem_shared>> -> memref<10240x128xf32, #tpu.memory_space<vmem_shared>>
        tpu.enqueue_indirect_dma source(%dma_start3A_66 : memref<128x128xf32, #tpu.memory_space<vmem>>) target(%dma_start3A_69 : memref<10240x128xf32, #tpu.memory_space<vmem_shared>>) offsets(%arg9 : memref<128xi32, #tpu.memory_space<vmem>>) semaphore(%run_scoped3A_62 : memref<!tpu.dma_semaphore, #tpu.memory_space<semaphore_mem>>) {add = true}
        %dma_wait3A_70 = arith.constant 0 : i32
        %dma_wait3A_71 = arith.constant 0 : i32
        %dma_wait3A_72 = tpu.memref_slice %arg10[%run_scoped3A_37, %dma_wait3A_70, %dma_wait3A_71] : memref<2x128x128xf32, #tpu.memory_space<vmem>> -> memref<1x128x128xf32, #tpu.memory_space<vmem>>
        %dma_wait3A_73 = tpu.memref_squeeze %dma_wait3A_72 : memref<1x128x128xf32, #tpu.memory_space<vmem>> -> memref<128x128xf32, #tpu.memory_space<vmem>>
        %dma_wait3A_74 = arith.constant 0 : i32
        %dma_wait3A_75 = arith.constant 0 : i32
        %dma_wait3A_76 = tpu.memref_slice %arg11[%dma_wait3A_74, %dma_wait3A_75] : memref<10240x128xf32, #tpu.memory_space<vmem_shared>> -> memref<10240x128xf32, #tpu.memory_space<vmem_shared>>
        tpu.wait_indirect_dma semaphore(%run_scoped3A_62 : memref<!tpu.dma_semaphore, #tpu.memory_space<semaphore_mem>>) src(%dma_wait3A_73 : memref<128x128xf32, #tpu.memory_space<vmem>>) dst(%dma_wait3A_76 : memref<10240x128xf32, #tpu.memory_space<vmem_shared>>)
        tpu.yield
      }) : () -> ()
      %add3A_38 = arith.constant 2 : i32
      %add3A_39 = arith.addi %add3A_29, %add3A_38 : i32
      %lt3A = arith.constant 80 : i32
      %lt3A_40 = arith.cmpi slt, %add3A_39, %lt3A : i32
      %convert_element_type3A = arith.extui %lt3A_40 : i1 to i32
      %cond3A = arith.constant 0 : i32
      %cond3A_41 = arith.cmpi ne, %convert_element_type3A, %cond3A : i32
      scf.if %cond3A_41 {
        %add3A_62 = arith.constant 2 : i32
        %add3A_63 = arith.addi %add3A_29, %add3A_62 : i32
        "tpu.region"() ({
          %run_scoped3A_72 = tpu.sem_alloc : memref<!tpu.dma_semaphore, #tpu.memory_space<semaphore_mem>>
          %dma_start3A_73 = arith.constant 0 : i32
          %dma_start3A_74 = tpu.memref_slice %arg3[%add3A, %add3A_63, %dma_start3A_73] : memref<32x80x128xi32, #tpu.memory_space<hbm>> -> memref<1x1x128xi32, #tpu.memory_space<hbm>>
          %dma_start3A_75 = tpu.memref_squeeze %dma_start3A_74 : memref<1x1x128xi32, #tpu.memory_space<hbm>> -> memref<128xi32, #tpu.memory_space<hbm>>
          %dma_start3A_76 = arith.constant 0 : i32
          %dma_start3A_77 = tpu.memref_slice %arg3[%add3A, %add3A_63, %dma_start3A_76] : memref<32x80x128xi32, #tpu.memory_space<hbm>> -> memref<1x1x128xi32, #tpu.memory_space<hbm>>
          %dma_start3A_78 = tpu.memref_squeeze %dma_start3A_77 : memref<1x1x128xi32, #tpu.memory_space<hbm>> -> memref<128xi32, #tpu.memory_space<hbm>>
          tpu.enqueue_dma source(%dma_start3A_78 : memref<128xi32, #tpu.memory_space<hbm>>) target(%arg7 : memref<128xi32, #tpu.memory_space<vmem>>) target_semaphore(%run_scoped3A_72 : memref<!tpu.dma_semaphore, #tpu.memory_space<semaphore_mem>>)
          %dma_wait3A_79 = arith.constant 0 : i32
          %dma_wait3A_80 = tpu.memref_slice %arg3[%add3A, %add3A_63, %dma_wait3A_79] : memref<32x80x128xi32, #tpu.memory_space<hbm>> -> memref<1x1x128xi32, #tpu.memory_space<hbm>>
          %dma_wait3A_81 = tpu.memref_squeeze %dma_wait3A_80 : memref<1x1x128xi32, #tpu.memory_space<hbm>> -> memref<128xi32, #tpu.memory_space<hbm>>
          %dma_wait3A_82 = arith.constant 0 : i32
          %dma_wait3A_83 = tpu.memref_slice %arg3[%add3A, %add3A_63, %dma_wait3A_82] : memref<32x80x128xi32, #tpu.memory_space<hbm>> -> memref<1x1x128xi32, #tpu.memory_space<hbm>>
          %dma_wait3A_84 = tpu.memref_squeeze %dma_wait3A_83 : memref<1x1x128xi32, #tpu.memory_space<hbm>> -> memref<128xi32, #tpu.memory_space<hbm>>
          tpu.wait_dma2 semaphore(%run_scoped3A_72 : memref<!tpu.dma_semaphore, #tpu.memory_space<semaphore_mem>>) src(%dma_wait3A_84 : memref<128xi32, #tpu.memory_space<hbm>>) dst(%arg7 : memref<128xi32, #tpu.memory_space<vmem>>)
          tpu.yield
        }) : () -> ()
        %dma_start3A_64 = arith.constant 0 : i32
        %dma_start3A_65 = arith.constant 0 : i32
        %dma_start3A_66 = arith.constant 0 : i32
        %dma_start3A_67 = tpu.memref_slice %arg10[%dma_start3A_64, %dma_start3A_65, %dma_start3A_66] : memref<2x128x128xf32, #tpu.memory_space<vmem>> -> memref<1x128x128xf32, #tpu.memory_space<vmem>>
        %dma_start3A_68 = tpu.memref_squeeze %dma_start3A_67 : memref<1x128x128xf32, #tpu.memory_space<vmem>> -> memref<128x128xf32, #tpu.memory_space<vmem>>
        %dma_start3A_69 = arith.constant 0 : i32
        %dma_start3A_70 = arith.constant 0 : i32
        %dma_start3A_71 = tpu.memref_slice %arg2[%dma_start3A_69, %dma_start3A_70] : memref<10240x128xf32, #tpu.memory_space<hbm>> -> memref<10240x128xf32, #tpu.memory_space<hbm>>
        tpu.enqueue_indirect_dma source(%dma_start3A_71 : memref<10240x128xf32, #tpu.memory_space<hbm>>) target(%dma_start3A_68 : memref<128x128xf32, #tpu.memory_space<vmem>>) offsets(%arg7 : memref<128xi32, #tpu.memory_space<vmem>>) semaphore(%arg12 : memref<!tpu.dma_semaphore, #tpu.memory_space<semaphore_mem>>)
      } else {
      }
      %mul3A_42 = arith.constant 2 : i32
      %mul3A_43 = arith.muli %scan3A_25, %mul3A_42 : i32
      %add3A_44 = arith.constant 1 : i32
      %add3A_45 = arith.addi %mul3A_43, %add3A_44 : i32
      %dma_wait3A_46 = arith.constant 1 : i32
      %dma_wait3A_47 = arith.constant 0 : i32
      %dma_wait3A_48 = arith.constant 0 : i32
      %dma_wait3A_49 = tpu.memref_slice %arg10[%dma_wait3A_46, %dma_wait3A_47, %dma_wait3A_48] : memref<2x128x128xf32, #tpu.memory_space<vmem>> -> memref<1x128x128xf32, #tpu.memory_space<vmem>>
      %dma_wait3A_50 = tpu.memref_squeeze %dma_wait3A_49 : memref<1x128x128xf32, #tpu.memory_space<vmem>> -> memref<128x128xf32, #tpu.memory_space<vmem>>
      %dma_wait3A_51 = arith.constant 0 : i32
      %dma_wait3A_52 = arith.constant 0 : i32
      %dma_wait3A_53 = tpu.memref_slice %arg2[%dma_wait3A_51, %dma_wait3A_52] : memref<10240x128xf32, #tpu.memory_space<hbm>> -> memref<10240x128xf32, #tpu.memory_space<hbm>>
      tpu.wait_indirect_dma semaphore(%arg13 : memref<!tpu.dma_semaphore, #tpu.memory_space<semaphore_mem>>) src(%dma_wait3A_53 : memref<10240x128xf32, #tpu.memory_space<hbm>>) dst(%dma_wait3A_50 : memref<128x128xf32, #tpu.memory_space<vmem>>)
      "tpu.region"() ({
        %run_scoped3A_62 = tpu.sem_alloc : memref<!tpu.dma_semaphore, #tpu.memory_space<semaphore_mem>>
        %dma_start3A_63 = arith.constant 0 : i32
        %dma_start3A_64 = tpu.memref_slice %arg4[%add3A, %add3A_45, %dma_start3A_63] : memref<32x80x128xi32, #tpu.memory_space<hbm>> -> memref<1x1x128xi32, #tpu.memory_space<hbm>>
        %dma_start3A_65 = tpu.memref_squeeze %dma_start3A_64 : memref<1x1x128xi32, #tpu.memory_space<hbm>> -> memref<128xi32, #tpu.memory_space<hbm>>
        %dma_start3A_66 = arith.constant 0 : i32
        %dma_start3A_67 = tpu.memref_slice %arg4[%add3A, %add3A_45, %dma_start3A_66] : memref<32x80x128xi32, #tpu.memory_space<hbm>> -> memref<1x1x128xi32, #tpu.memory_space<hbm>>
        %dma_start3A_68 = tpu.memref_squeeze %dma_start3A_67 : memref<1x1x128xi32, #tpu.memory_space<hbm>> -> memref<128xi32, #tpu.memory_space<hbm>>
        tpu.enqueue_dma source(%dma_start3A_68 : memref<128xi32, #tpu.memory_space<hbm>>) target(%arg9 : memref<128xi32, #tpu.memory_space<vmem>>) target_semaphore(%run_scoped3A_62 : memref<!tpu.dma_semaphore, #tpu.memory_space<semaphore_mem>>)
        %dma_wait3A_69 = arith.constant 0 : i32
        %dma_wait3A_70 = tpu.memref_slice %arg4[%add3A, %add3A_45, %dma_wait3A_69] : memref<32x80x128xi32, #tpu.memory_space<hbm>> -> memref<1x1x128xi32, #tpu.memory_space<hbm>>
        %dma_wait3A_71 = tpu.memref_squeeze %dma_wait3A_70 : memref<1x1x128xi32, #tpu.memory_space<hbm>> -> memref<128xi32, #tpu.memory_space<hbm>>
        %dma_wait3A_72 = arith.constant 0 : i32
        %dma_wait3A_73 = tpu.memref_slice %arg4[%add3A, %add3A_45, %dma_wait3A_72] : memref<32x80x128xi32, #tpu.memory_space<hbm>> -> memref<1x1x128xi32, #tpu.memory_space<hbm>>
        %dma_wait3A_74 = tpu.memref_squeeze %dma_wait3A_73 : memref<1x1x128xi32, #tpu.memory_space<hbm>> -> memref<128xi32, #tpu.memory_space<hbm>>
        tpu.wait_dma2 semaphore(%run_scoped3A_62 : memref<!tpu.dma_semaphore, #tpu.memory_space<semaphore_mem>>) src(%dma_wait3A_74 : memref<128xi32, #tpu.memory_space<hbm>>) dst(%arg9 : memref<128xi32, #tpu.memory_space<vmem>>)
        tpu.yield
      }) : () -> ()
      %run_scoped3A_54 = arith.constant 1 : i32
      "tpu.region"() ({
        %run_scoped3A_62 = tpu.sem_alloc : memref<!tpu.dma_semaphore, #tpu.memory_space<semaphore_mem>>
        %dma_start3A_63 = arith.constant 0 : i32
        %dma_start3A_64 = arith.constant 0 : i32
        %dma_start3A_65 = tpu.memref_slice %arg10[%run_scoped3A_54, %dma_start3A_63, %dma_start3A_64] : memref<2x128x128xf32, #tpu.memory_space<vmem>> -> memref<1x128x128xf32, #tpu.memory_space<vmem>>
        %dma_start3A_66 = tpu.memref_squeeze %dma_start3A_65 : memref<1x128x128xf32, #tpu.memory_space<vmem>> -> memref<128x128xf32, #tpu.memory_space<vmem>>
        %dma_start3A_67 = arith.constant 0 : i32
        %dma_start3A_68 = arith.constant 0 : i32
        %dma_start3A_69 = tpu.memref_slice %arg11[%dma_start3A_67, %dma_start3A_68] : memref<10240x128xf32, #tpu.memory_space<vmem_shared>> -> memref<10240x128xf32, #tpu.memory_space<vmem_shared>>
        tpu.enqueue_indirect_dma source(%dma_start3A_66 : memref<128x128xf32, #tpu.memory_space<vmem>>) target(%dma_start3A_69 : memref<10240x128xf32, #tpu.memory_space<vmem_shared>>) offsets(%arg9 : memref<128xi32, #tpu.memory_space<vmem>>) semaphore(%run_scoped3A_62 : memref<!tpu.dma_semaphore, #tpu.memory_space<semaphore_mem>>) {add = true}
        %dma_wait3A_70 = arith.constant 0 : i32
        %dma_wait3A_71 = arith.constant 0 : i32
        %dma_wait3A_72 = tpu.memref_slice %arg10[%run_scoped3A_54, %dma_wait3A_70, %dma_wait3A_71] : memref<2x128x128xf32, #tpu.memory_space<vmem>> -> memref<1x128x128xf32, #tpu.memory_space<vmem>>
        %dma_wait3A_73 = tpu.memref_squeeze %dma_wait3A_72 : memref<1x128x128xf32, #tpu.memory_space<vmem>> -> memref<128x128xf32, #tpu.memory_space<vmem>>
        %dma_wait3A_74 = arith.constant 0 : i32
        %dma_wait3A_75 = arith.constant 0 : i32
        %dma_wait3A_76 = tpu.memref_slice %arg11[%dma_wait3A_74, %dma_wait3A_75] : memref<10240x128xf32, #tpu.memory_space<vmem_shared>> -> memref<10240x128xf32, #tpu.memory_space<vmem_shared>>
        tpu.wait_indirect_dma semaphore(%run_scoped3A_62 : memref<!tpu.dma_semaphore, #tpu.memory_space<semaphore_mem>>) src(%dma_wait3A_73 : memref<128x128xf32, #tpu.memory_space<vmem>>) dst(%dma_wait3A_76 : memref<10240x128xf32, #tpu.memory_space<vmem_shared>>)
        tpu.yield
      }) : () -> ()
      %add3A_55 = arith.constant 2 : i32
      %add3A_56 = arith.addi %add3A_45, %add3A_55 : i32
      %lt3A_57 = arith.constant 80 : i32
      %lt3A_58 = arith.cmpi slt, %add3A_56, %lt3A_57 : i32
      %convert_element_type3A_59 = arith.extui %lt3A_58 : i1 to i32
      %cond3A_60 = arith.constant 0 : i32
      %cond3A_61 = arith.cmpi ne, %convert_element_type3A_59, %cond3A_60 : i32
      scf.if %cond3A_61 {
        %add3A_62 = arith.constant 2 : i32
        %add3A_63 = arith.addi %add3A_45, %add3A_62 : i32
        "tpu.region"() ({
          %run_scoped3A_72 = tpu.sem_alloc : memref<!tpu.dma_semaphore, #tpu.memory_space<semaphore_mem>>
          %dma_start3A_73 = arith.constant 0 : i32
          %dma_start3A_74 = tpu.memref_slice %arg3[%add3A, %add3A_63, %dma_start3A_73] : memref<32x80x128xi32, #tpu.memory_space<hbm>> -> memref<1x1x128xi32, #tpu.memory_space<hbm>>
          %dma_start3A_75 = tpu.memref_squeeze %dma_start3A_74 : memref<1x1x128xi32, #tpu.memory_space<hbm>> -> memref<128xi32, #tpu.memory_space<hbm>>
          %dma_start3A_76 = arith.constant 0 : i32
          %dma_start3A_77 = tpu.memref_slice %arg3[%add3A, %add3A_63, %dma_start3A_76] : memref<32x80x128xi32, #tpu.memory_space<hbm>> -> memref<1x1x128xi32, #tpu.memory_space<hbm>>
          %dma_start3A_78 = tpu.memref_squeeze %dma_start3A_77 : memref<1x1x128xi32, #tpu.memory_space<hbm>> -> memref<128xi32, #tpu.memory_space<hbm>>
          tpu.enqueue_dma source(%dma_start3A_78 : memref<128xi32, #tpu.memory_space<hbm>>) target(%arg8 : memref<128xi32, #tpu.memory_space<vmem>>) target_semaphore(%run_scoped3A_72 : memref<!tpu.dma_semaphore, #tpu.memory_space<semaphore_mem>>)
          %dma_wait3A_79 = arith.constant 0 : i32
          %dma_wait3A_80 = tpu.memref_slice %arg3[%add3A, %add3A_63, %dma_wait3A_79] : memref<32x80x128xi32, #tpu.memory_space<hbm>> -> memref<1x1x128xi32, #tpu.memory_space<hbm>>
          %dma_wait3A_81 = tpu.memref_squeeze %dma_wait3A_80 : memref<1x1x128xi32, #tpu.memory_space<hbm>> -> memref<128xi32, #tpu.memory_space<hbm>>
          %dma_wait3A_82 = arith.constant 0 : i32
          %dma_wait3A_83 = tpu.memref_slice %arg3[%add3A, %add3A_63, %dma_wait3A_82] : memref<32x80x128xi32, #tpu.memory_space<hbm>> -> memref<1x1x128xi32, #tpu.memory_space<hbm>>
          %dma_wait3A_84 = tpu.memref_squeeze %dma_wait3A_83 : memref<1x1x128xi32, #tpu.memory_space<hbm>> -> memref<128xi32, #tpu.memory_space<hbm>>
          tpu.wait_dma2 semaphore(%run_scoped3A_72 : memref<!tpu.dma_semaphore, #tpu.memory_space<semaphore_mem>>) src(%dma_wait3A_84 : memref<128xi32, #tpu.memory_space<hbm>>) dst(%arg8 : memref<128xi32, #tpu.memory_space<vmem>>)
          tpu.yield
        }) : () -> ()
        %dma_start3A_64 = arith.constant 1 : i32
        %dma_start3A_65 = arith.constant 0 : i32
        %dma_start3A_66 = arith.constant 0 : i32
        %dma_start3A_67 = tpu.memref_slice %arg10[%dma_start3A_64, %dma_start3A_65, %dma_start3A_66] : memref<2x128x128xf32, #tpu.memory_space<vmem>> -> memref<1x128x128xf32, #tpu.memory_space<vmem>>
        %dma_start3A_68 = tpu.memref_squeeze %dma_start3A_67 : memref<1x128x128xf32, #tpu.memory_space<vmem>> -> memref<128x128xf32, #tpu.memory_space<vmem>>
        %dma_start3A_69 = arith.constant 0 : i32
        %dma_start3A_70 = arith.constant 0 : i32
        %dma_start3A_71 = tpu.memref_slice %arg2[%dma_start3A_69, %dma_start3A_70] : memref<10240x128xf32, #tpu.memory_space<hbm>> -> memref<10240x128xf32, #tpu.memory_space<hbm>>
        tpu.enqueue_indirect_dma source(%dma_start3A_71 : memref<10240x128xf32, #tpu.memory_space<hbm>>) target(%dma_start3A_68 : memref<128x128xf32, #tpu.memory_space<vmem>>) offsets(%arg8 : memref<128xi32, #tpu.memory_space<vmem>>) semaphore(%arg13 : memref<!tpu.dma_semaphore, #tpu.memory_space<semaphore_mem>>)
      } else {
      }
    }
    %scan3A_23 = arith.constant 40 : i32
    %barrier3A_24 = arith.constant 0 : index
    tpu.barrier barrier_id(%barrier3A_24)
    "tpu.region"() ({
      %run_scoped3A_25 = tpu.sem_alloc : memref<!tpu.dma_semaphore, #tpu.memory_space<semaphore_mem>>
      %dma_start3A_26 = arith.constant 0 : i32
      %dma_start3A_27 = tpu.memref_slice %arg6[%arg0, %mul3A_2, %dma_start3A_26] : memref<2x10240x128xf32, #tpu.memory_space<hbm>> -> memref<1x640x128xf32, #tpu.memory_space<hbm>>
      %dma_start3A_28 = tpu.memref_squeeze %dma_start3A_27 : memref<1x640x128xf32, #tpu.memory_space<hbm>> -> memref<640x128xf32, #tpu.memory_space<hbm>>
      %dma_start3A_29 = arith.constant 0 : i32
      %dma_start3A_30 = tpu.memref_slice %arg11[%mul3A_2, %dma_start3A_29] : memref<10240x128xf32, #tpu.memory_space<vmem_shared>> -> memref<640x128xf32, #tpu.memory_space<vmem_shared>>
      tpu.enqueue_dma source(%dma_start3A_30 : memref<640x128xf32, #tpu.memory_space<vmem_shared>>) target(%dma_start3A_28 : memref<640x128xf32, #tpu.memory_space<hbm>>) target_semaphore(%run_scoped3A_25 : memref<!tpu.dma_semaphore, #tpu.memory_space<semaphore_mem>>)
      %dma_wait3A = arith.constant 0 : i32
      %dma_wait3A_31 = tpu.memref_slice %arg6[%arg0, %mul3A_2, %dma_wait3A] : memref<2x10240x128xf32, #tpu.memory_space<hbm>> -> memref<1x640x128xf32, #tpu.memory_space<hbm>>
      %dma_wait3A_32 = tpu.memref_squeeze %dma_wait3A_31 : memref<1x640x128xf32, #tpu.memory_space<hbm>> -> memref<640x128xf32, #tpu.memory_space<hbm>>
      %dma_wait3A_33 = arith.constant 0 : i32
      %dma_wait3A_34 = tpu.memref_slice %arg11[%mul3A_2, %dma_wait3A_33] : memref<10240x128xf32, #tpu.memory_space<vmem_shared>> -> memref<640x128xf32, #tpu.memory_space<vmem_shared>>
      tpu.wait_dma2 semaphore(%run_scoped3A_25 : memref<!tpu.dma_semaphore, #tpu.memory_space<semaphore_mem>>) src(%dma_wait3A_34 : memref<640x128xf32, #tpu.memory_space<vmem_shared>>) dst(%dma_wait3A_32 : memref<640x128xf32, #tpu.memory_space<hbm>>)
      tpu.yield
    }) : () -> ()
    return
  }
}

#map = affine_map<(d0, d1) -> (0, 0)>
#map1 = affine_map<(d0, d1) -> (0, 0, 0)>
module attributes {stable_mosaic.version = 14 : i64} {
  func.func @body(%arg0: i32, %arg1: i32, %arg2: memref<10240x128xf32, #tpu.memory_space<hbm>>, %arg3: memref<32x80x128xi32, #tpu.memory_space<hbm>>, %arg4: memref<32x80x128xi32, #tpu.memory_space<hbm>>, %arg5: memref<640x128xf32, #tpu.memory_space<hbm>>, %arg6: memref<2x10240x128xf32, #tpu.memory_space<hbm>>, %arg7: memref<128xi32, #tpu.memory_space<vmem>>, %arg8: memref<128xi32, #tpu.memory_space<vmem>>, %arg9: memref<128xi32, #tpu.memory_space<vmem>>, %arg10: memref<2x128x128xf32, #tpu.memory_space<vmem>>, %arg11: memref<10240x128xf32, #tpu.memory_space<vmem_shared>>, %arg12: memref<!tpu.dma_semaphore, #tpu.memory_space<semaphore_mem>>, %arg13: memref<!tpu.dma_semaphore, #tpu.memory_space<semaphore_mem>>) attributes {dimension_semantics = [#tpu.dimension_semantics<core_parallel>, #tpu.dimension_semantics<subcore_parallel>], iteration_bounds = array<i64: 2, 16>, scalar_prefetch = 0 : i64, scratch_operands = 7 : i64, tpu.core_type = #tpu.core_type<sc_vector_subcore>, window_params = [{transform_indices = #map}, {transform_indices = #map1}, {transform_indices = #map1}, {transform_indices = #map}, {transform_indices = #map1}]} {
    %mul3A = arith.constant 16 : i32
    %mul3A_0 = arith.muli %arg0, %mul3A : i32
    %add3A = arith.addi %mul3A_0, %arg1 : i32
    %mul3A_1 = arith.constant 640 : i32
    %mul3A_2 = arith.muli %arg1, %mul3A_1 : i32
    "tpu.region"() ({
      %run_scoped3A_25 = tpu.sem_alloc : memref<!tpu.dma_semaphore, #tpu.memory_space<semaphore_mem>>
      %dma_start3A_26 = arith.constant 0 : i32
      %dma_start3A_27 = tpu.memref_slice %arg11[%mul3A_2, %dma_start3A_26] : memref<10240x128xf32, #tpu.memory_space<vmem_shared>> -> memref<640x128xf32, #tpu.memory_space<vmem_shared>>
      tpu.enqueue_dma source(%arg5 : memref<640x128xf32, #tpu.memory_space<hbm>>) target(%dma_start3A_27 : memref<640x128xf32, #tpu.memory_space<vmem_shared>>) target_semaphore(%run_scoped3A_25 : memref<!tpu.dma_semaphore, #tpu.memory_space<semaphore_mem>>)
      %dma_wait3A = arith.constant 0 : i32
      %dma_wait3A_28 = tpu.memref_slice %arg11[%mul3A_2, %dma_wait3A] : memref<10240x128xf32, #tpu.memory_space<vmem_shared>> -> memref<640x128xf32, #tpu.memory_space<vmem_shared>>
      tpu.wait_dma2 semaphore(%run_scoped3A_25 : memref<!tpu.dma_semaphore, #tpu.memory_space<semaphore_mem>>) src(%arg5 : memref<640x128xf32, #tpu.memory_space<hbm>>) dst(%dma_wait3A_28 : memref<640x128xf32, #tpu.memory_space<vmem_shared>>)
      tpu.yield
    }) : () -> ()
    %barrier3A = arith.constant 0 : index
    tpu.barrier barrier_id(%barrier3A)
    %run_scoped3A = arith.constant 0 : i32
    "tpu.region"() ({
      %run_scoped3A_25 = tpu.sem_alloc : memref<!tpu.dma_semaphore, #tpu.memory_space<semaphore_mem>>
      %dma_start3A_26 = arith.constant 0 : i32
      %dma_start3A_27 = tpu.memref_slice %arg3[%add3A, %run_scoped3A, %dma_start3A_26] : memref<32x80x128xi32, #tpu.memory_space<hbm>> -> memref<1x1x128xi32, #tpu.memory_space<hbm>>
      %dma_start3A_28 = tpu.memref_squeeze %dma_start3A_27 : memref<1x1x128xi32, #tpu.memory_space<hbm>> -> memref<128xi32, #tpu.memory_space<hbm>>
      %dma_start3A_29 = arith.constant 0 : i32
      %dma_start3A_30 = tpu.memref_slice %arg3[%add3A, %run_scoped3A, %dma_start3A_29] : memref<32x80x128xi32, #tpu.memory_space<hbm>> -> memref<1x1x128xi32, #tpu.memory_space<hbm>>
      %dma_start3A_31 = tpu.memref_squeeze %dma_start3A_30 : memref<1x1x128xi32, #tpu.memory_space<hbm>> -> memref<128xi32, #tpu.memory_space<hbm>>
      tpu.enqueue_dma source(%dma_start3A_31 : memref<128xi32, #tpu.memory_space<hbm>>) target(%arg7 : memref<128xi32, #tpu.memory_space<vmem>>) target_semaphore(%run_scoped3A_25 : memref<!tpu.dma_semaphore, #tpu.memory_space<semaphore_mem>>)
      %dma_wait3A = arith.constant 0 : i32
      %dma_wait3A_32 = tpu.memref_slice %arg3[%add3A, %run_scoped3A, %dma_wait3A] : memref<32x80x128xi32, #tpu.memory_space<hbm>> -> memref<1x1x128xi32, #tpu.memory_space<hbm>>
      %dma_wait3A_33 = tpu.memref_squeeze %dma_wait3A_32 : memref<1x1x128xi32, #tpu.memory_space<hbm>> -> memref<128xi32, #tpu.memory_space<hbm>>
      %dma_wait3A_34 = arith.constant 0 : i32
      %dma_wait3A_35 = tpu.memref_slice %arg3[%add3A, %run_scoped3A, %dma_wait3A_34] : memref<32x80x128xi32, #tpu.memory_space<hbm>> -> memref<1x1x128xi32, #tpu.memory_space<hbm>>
      %dma_wait3A_36 = tpu.memref_squeeze %dma_wait3A_35 : memref<1x1x128xi32, #tpu.memory_space<hbm>> -> memref<128xi32, #tpu.memory_space<hbm>>
      tpu.wait_dma2 semaphore(%run_scoped3A_25 : memref<!tpu.dma_semaphore, #tpu.memory_space<semaphore_mem>>) src(%dma_wait3A_36 : memref<128xi32, #tpu.memory_space<hbm>>) dst(%arg7 : memref<128xi32, #tpu.memory_space<vmem>>)
      tpu.yield
    }) : () -> ()
    %dma_start3A = arith.constant 0 : i32
    %dma_start3A_3 = arith.constant 0 : i32
    %dma_start3A_4 = arith.constant 0 : i32
    %dma_start3A_5 = tpu.memref_slice %arg10[%dma_start3A, %dma_start3A_3, %dma_start3A_4] : memref<2x128x128xf32, #tpu.memory_space<vmem>> -> memref<1x128x128xf32, #tpu.memory_space<vmem>>
    %dma_start3A_6 = tpu.memref_squeeze %dma_start3A_5 : memref<1x128x128xf32, #tpu.memory_space<vmem>> -> memref<128x128xf32, #tpu.memory_space<vmem>>
    %dma_start3A_7 = arith.constant 0 : i32
    %dma_start3A_8 = arith.constant 0 : i32
    %dma_start3A_9 = tpu.memref_slice %arg2[%dma_start3A_7, %dma_start3A_8] : memref<10240x128xf32, #tpu.memory_space<hbm>> -> memref<10240x128xf32, #tpu.memory_space<hbm>>
    tpu.enqueue_indirect_dma source(%dma_start3A_9 : memref<10240x128xf32, #tpu.memory_space<hbm>>) target(%dma_start3A_6 : memref<128x128xf32, #tpu.memory_space<vmem>>) offsets(%arg7 : memref<128xi32, #tpu.memory_space<vmem>>) semaphore(%arg12 : memref<!tpu.dma_semaphore, #tpu.memory_space<semaphore_mem>>)
    %run_scoped3A_10 = arith.constant 1 : i32
    "tpu.region"() ({
      %run_scoped3A_25 = tpu.sem_alloc : memref<!tpu.dma_semaphore, #tpu.memory_space<semaphore_mem>>
      %dma_start3A_26 = arith.constant 0 : i32
      %dma_start3A_27 = tpu.memref_slice %arg3[%add3A, %run_scoped3A_10, %dma_start3A_26] : memref<32x80x128xi32, #tpu.memory_space<hbm>> -> memref<1x1x128xi32, #tpu.memory_space<hbm>>
      %dma_start3A_28 = tpu.memref_squeeze %dma_start3A_27 : memref<1x1x128xi32, #tpu.memory_space<hbm>> -> memref<128xi32, #tpu.memory_space<hbm>>
      %dma_start3A_29 = arith.constant 0 : i32
      %dma_start3A_30 = tpu.memref_slice %arg3[%add3A, %run_scoped3A_10, %dma_start3A_29] : memref<32x80x128xi32, #tpu.memory_space<hbm>> -> memref<1x1x128xi32, #tpu.memory_space<hbm>>
      %dma_start3A_31 = tpu.memref_squeeze %dma_start3A_30 : memref<1x1x128xi32, #tpu.memory_space<hbm>> -> memref<128xi32, #tpu.memory_space<hbm>>
      tpu.enqueue_dma source(%dma_start3A_31 : memref<128xi32, #tpu.memory_space<hbm>>) target(%arg8 : memref<128xi32, #tpu.memory_space<vmem>>) target_semaphore(%run_scoped3A_25 : memref<!tpu.dma_semaphore, #tpu.memory_space<semaphore_mem>>)
      %dma_wait3A = arith.constant 0 : i32
      %dma_wait3A_32 = tpu.memref_slice %arg3[%add3A, %run_scoped3A_10, %dma_wait3A] : memref<32x80x128xi32, #tpu.memory_space<hbm>> -> memref<1x1x128xi32, #tpu.memory_space<hbm>>
      %dma_wait3A_33 = tpu.memref_squeeze %dma_wait3A_32 : memref<1x1x128xi32, #tpu.memory_space<hbm>> -> memref<128xi32, #tpu.memory_space<hbm>>
      %dma_wait3A_34 = arith.constant 0 : i32
      %dma_wait3A_35 = tpu.memref_slice %arg3[%add3A, %run_scoped3A_10, %dma_wait3A_34] : memref<32x80x128xi32, #tpu.memory_space<hbm>> -> memref<1x1x128xi32, #tpu.memory_space<hbm>>
      %dma_wait3A_36 = tpu.memref_squeeze %dma_wait3A_35 : memref<1x1x128xi32, #tpu.memory_space<hbm>> -> memref<128xi32, #tpu.memory_space<hbm>>
      tpu.wait_dma2 semaphore(%run_scoped3A_25 : memref<!tpu.dma_semaphore, #tpu.memory_space<semaphore_mem>>) src(%dma_wait3A_36 : memref<128xi32, #tpu.memory_space<hbm>>) dst(%arg8 : memref<128xi32, #tpu.memory_space<vmem>>)
      tpu.yield
    }) : () -> ()
    %dma_start3A_11 = arith.constant 1 : i32
    %dma_start3A_12 = arith.constant 0 : i32
    %dma_start3A_13 = arith.constant 0 : i32
    %dma_start3A_14 = tpu.memref_slice %arg10[%dma_start3A_11, %dma_start3A_12, %dma_start3A_13] : memref<2x128x128xf32, #tpu.memory_space<vmem>> -> memref<1x128x128xf32, #tpu.memory_space<vmem>>
    %dma_start3A_15 = tpu.memref_squeeze %dma_start3A_14 : memref<1x128x128xf32, #tpu.memory_space<vmem>> -> memref<128x128xf32, #tpu.memory_space<vmem>>
    %dma_start3A_16 = arith.constant 0 : i32
    %dma_start3A_17 = arith.constant 0 : i32
    %dma_start3A_18 = tpu.memref_slice %arg2[%dma_start3A_16, %dma_start3A_17] : memref<10240x128xf32, #tpu.memory_space<hbm>> -> memref<10240x128xf32, #tpu.memory_space<hbm>>
    tpu.enqueue_indirect_dma source(%dma_start3A_18 : memref<10240x128xf32, #tpu.memory_space<hbm>>) target(%dma_start3A_15 : memref<128x128xf32, #tpu.memory_space<vmem>>) offsets(%arg8 : memref<128xi32, #tpu.memory_space<vmem>>) semaphore(%arg13 : memref<!tpu.dma_semaphore, #tpu.memory_space<semaphore_mem>>)
    %scan3A = arith.constant 0 : i32
    %scan3A_19 = arith.constant 0 : i32
    %scan3A_20 = arith.constant 40 : i32
    %scan3A_21 = arith.addi %scan3A_19, %scan3A_20 : i32
    %scan3A_22 = arith.constant 1 : i32
    scf.for %scan3A_25 = %scan3A_19 to %scan3A_21 step %scan3A_22  : i32 {
      %mul3A_26 = arith.constant 2 : i32
      %mul3A_27 = arith.muli %scan3A_25, %mul3A_26 : i32
      %add3A_28 = arith.constant 0 : i32
      %add3A_29 = arith.addi %mul3A_27, %add3A_28 : i32
      %dma_wait3A = arith.constant 0 : i32
      %dma_wait3A_30 = arith.constant 0 : i32
      %dma_wait3A_31 = arith.constant 0 : i32
      %dma_wait3A_32 = tpu.memref_slice %arg10[%dma_wait3A, %dma_wait3A_30, %dma_wait3A_31] : memref<2x128x128xf32, #tpu.memory_space<vmem>> -> memref<1x128x128xf32, #tpu.memory_space<vmem>>
      %dma_wait3A_33 = tpu.memref_squeeze %dma_wait3A_32 : memref<1x128x128xf32, #tpu.memory_space<vmem>> -> memref<128x128xf32, #tpu.memory_space<vmem>>
      %dma_wait3A_34 = arith.constant 0 : i32
      %dma_wait3A_35 = arith.constant 0 : i32
      %dma_wait3A_36 = tpu.memref_slice %arg2[%dma_wait3A_34, %dma_wait3A_35] : memref<10240x128xf32, #tpu.memory_space<hbm>> -> memref<10240x128xf32, #tpu.memory_space<hbm>>
      tpu.wait_indirect_dma semaphore(%arg12 : memref<!tpu.dma_semaphore, #tpu.memory_space<semaphore_mem>>) src(%dma_wait3A_36 : memref<10240x128xf32, #tpu.memory_space<hbm>>) dst(%dma_wait3A_33 : memref<128x128xf32, #tpu.memory_space<vmem>>)
      "tpu.region"() ({
        %run_scoped3A_62 = tpu.sem_alloc : memref<!tpu.dma_semaphore, #tpu.memory_space<semaphore_mem>>
        %dma_start3A_63 = arith.constant 0 : i32
        %dma_start3A_64 = tpu.memref_slice %arg4[%add3A, %add3A_29, %dma_start3A_63] : memref<32x80x128xi32, #tpu.memory_space<hbm>> -> memref<1x1x128xi32, #tpu.memory_space<hbm>>
        %dma_start3A_65 = tpu.memref_squeeze %dma_start3A_64 : memref<1x1x128xi32, #tpu.memory_space<hbm>> -> memref<128xi32, #tpu.memory_space<hbm>>
        %dma_start3A_66 = arith.constant 0 : i32
        %dma_start3A_67 = tpu.memref_slice %arg4[%add3A, %add3A_29, %dma_start3A_66] : memref<32x80x128xi32, #tpu.memory_space<hbm>> -> memref<1x1x128xi32, #tpu.memory_space<hbm>>
        %dma_start3A_68 = tpu.memref_squeeze %dma_start3A_67 : memref<1x1x128xi32, #tpu.memory_space<hbm>> -> memref<128xi32, #tpu.memory_space<hbm>>
        tpu.enqueue_dma source(%dma_start3A_68 : memref<128xi32, #tpu.memory_space<hbm>>) target(%arg9 : memref<128xi32, #tpu.memory_space<vmem>>) target_semaphore(%run_scoped3A_62 : memref<!tpu.dma_semaphore, #tpu.memory_space<semaphore_mem>>)
        %dma_wait3A_69 = arith.constant 0 : i32
        %dma_wait3A_70 = tpu.memref_slice %arg4[%add3A, %add3A_29, %dma_wait3A_69] : memref<32x80x128xi32, #tpu.memory_space<hbm>> -> memref<1x1x128xi32, #tpu.memory_space<hbm>>
        %dma_wait3A_71 = tpu.memref_squeeze %dma_wait3A_70 : memref<1x1x128xi32, #tpu.memory_space<hbm>> -> memref<128xi32, #tpu.memory_space<hbm>>
        %dma_wait3A_72 = arith.constant 0 : i32
        %dma_wait3A_73 = tpu.memref_slice %arg4[%add3A, %add3A_29, %dma_wait3A_72] : memref<32x80x128xi32, #tpu.memory_space<hbm>> -> memref<1x1x128xi32, #tpu.memory_space<hbm>>
        %dma_wait3A_74 = tpu.memref_squeeze %dma_wait3A_73 : memref<1x1x128xi32, #tpu.memory_space<hbm>> -> memref<128xi32, #tpu.memory_space<hbm>>
        tpu.wait_dma2 semaphore(%run_scoped3A_62 : memref<!tpu.dma_semaphore, #tpu.memory_space<semaphore_mem>>) src(%dma_wait3A_74 : memref<128xi32, #tpu.memory_space<hbm>>) dst(%arg9 : memref<128xi32, #tpu.memory_space<vmem>>)
        tpu.yield
      }) : () -> ()
      %run_scoped3A_37 = arith.constant 0 : i32
      "tpu.region"() ({
        %run_scoped3A_62 = tpu.sem_alloc : memref<!tpu.dma_semaphore, #tpu.memory_space<semaphore_mem>>
        %dma_start3A_63 = arith.constant 0 : i32
        %dma_start3A_64 = arith.constant 0 : i32
        %dma_start3A_65 = tpu.memref_slice %arg10[%run_scoped3A_37, %dma_start3A_63, %dma_start3A_64] : memref<2x128x128xf32, #tpu.memory_space<vmem>> -> memref<1x128x128xf32, #tpu.memory_space<vmem>>
        %dma_start3A_66 = tpu.memref_squeeze %dma_start3A_65 : memref<1x128x128xf32, #tpu.memory_space<vmem>> -> memref<128x128xf32, #tpu.memory_space<vmem>>
        %dma_start3A_67 = arith.constant 0 : i32
        %dma_start3A_68 = arith.constant 0 : i32
        %dma_start3A_69 = tpu.memref_slice %arg11[%dma_start3A_67, %dma_start3A_68] : memref<10240x128xf32, #tpu.memory_space<vmem_shared>> -> memref<10240x128xf32, #tpu.memory_space<vmem_shared>>
        tpu.enqueue_indirect_dma source(%dma_start3A_66 : memref<128x128xf32, #tpu.memory_space<vmem>>) target(%dma_start3A_69 : memref<10240x128xf32, #tpu.memory_space<vmem_shared>>) offsets(%arg9 : memref<128xi32, #tpu.memory_space<vmem>>) semaphore(%run_scoped3A_62 : memref<!tpu.dma_semaphore, #tpu.memory_space<semaphore_mem>>) {add = true}
        %dma_wait3A_70 = arith.constant 0 : i32
        %dma_wait3A_71 = arith.constant 0 : i32
        %dma_wait3A_72 = tpu.memref_slice %arg10[%run_scoped3A_37, %dma_wait3A_70, %dma_wait3A_71] : memref<2x128x128xf32, #tpu.memory_space<vmem>> -> memref<1x128x128xf32, #tpu.memory_space<vmem>>
        %dma_wait3A_73 = tpu.memref_squeeze %dma_wait3A_72 : memref<1x128x128xf32, #tpu.memory_space<vmem>> -> memref<128x128xf32, #tpu.memory_space<vmem>>
        %dma_wait3A_74 = arith.constant 0 : i32
        %dma_wait3A_75 = arith.constant 0 : i32
        %dma_wait3A_76 = tpu.memref_slice %arg11[%dma_wait3A_74, %dma_wait3A_75] : memref<10240x128xf32, #tpu.memory_space<vmem_shared>> -> memref<10240x128xf32, #tpu.memory_space<vmem_shared>>
        tpu.wait_indirect_dma semaphore(%run_scoped3A_62 : memref<!tpu.dma_semaphore, #tpu.memory_space<semaphore_mem>>) src(%dma_wait3A_73 : memref<128x128xf32, #tpu.memory_space<vmem>>) dst(%dma_wait3A_76 : memref<10240x128xf32, #tpu.memory_space<vmem_shared>>)
        tpu.yield
      }) : () -> ()
      %add3A_38 = arith.constant 2 : i32
      %add3A_39 = arith.addi %add3A_29, %add3A_38 : i32
      %lt3A = arith.constant 80 : i32
      %lt3A_40 = arith.cmpi slt, %add3A_39, %lt3A : i32
      %convert_element_type3A = arith.extui %lt3A_40 : i1 to i32
      %cond3A = arith.constant 0 : i32
      %cond3A_41 = arith.cmpi ne, %convert_element_type3A, %cond3A : i32
      scf.if %cond3A_41 {
        %add3A_62 = arith.constant 2 : i32
        %add3A_63 = arith.addi %add3A_29, %add3A_62 : i32
        "tpu.region"() ({
          %run_scoped3A_72 = tpu.sem_alloc : memref<!tpu.dma_semaphore, #tpu.memory_space<semaphore_mem>>
          %dma_start3A_73 = arith.constant 0 : i32
          %dma_start3A_74 = tpu.memref_slice %arg3[%add3A, %add3A_63, %dma_start3A_73] : memref<32x80x128xi32, #tpu.memory_space<hbm>> -> memref<1x1x128xi32, #tpu.memory_space<hbm>>
          %dma_start3A_75 = tpu.memref_squeeze %dma_start3A_74 : memref<1x1x128xi32, #tpu.memory_space<hbm>> -> memref<128xi32, #tpu.memory_space<hbm>>
          %dma_start3A_76 = arith.constant 0 : i32
          %dma_start3A_77 = tpu.memref_slice %arg3[%add3A, %add3A_63, %dma_start3A_76] : memref<32x80x128xi32, #tpu.memory_space<hbm>> -> memref<1x1x128xi32, #tpu.memory_space<hbm>>
          %dma_start3A_78 = tpu.memref_squeeze %dma_start3A_77 : memref<1x1x128xi32, #tpu.memory_space<hbm>> -> memref<128xi32, #tpu.memory_space<hbm>>
          tpu.enqueue_dma source(%dma_start3A_78 : memref<128xi32, #tpu.memory_space<hbm>>) target(%arg7 : memref<128xi32, #tpu.memory_space<vmem>>) target_semaphore(%run_scoped3A_72 : memref<!tpu.dma_semaphore, #tpu.memory_space<semaphore_mem>>)
          %dma_wait3A_79 = arith.constant 0 : i32
          %dma_wait3A_80 = tpu.memref_slice %arg3[%add3A, %add3A_63, %dma_wait3A_79] : memref<32x80x128xi32, #tpu.memory_space<hbm>> -> memref<1x1x128xi32, #tpu.memory_space<hbm>>
          %dma_wait3A_81 = tpu.memref_squeeze %dma_wait3A_80 : memref<1x1x128xi32, #tpu.memory_space<hbm>> -> memref<128xi32, #tpu.memory_space<hbm>>
          %dma_wait3A_82 = arith.constant 0 : i32
          %dma_wait3A_83 = tpu.memref_slice %arg3[%add3A, %add3A_63, %dma_wait3A_82] : memref<32x80x128xi32, #tpu.memory_space<hbm>> -> memref<1x1x128xi32, #tpu.memory_space<hbm>>
          %dma_wait3A_84 = tpu.memref_squeeze %dma_wait3A_83 : memref<1x1x128xi32, #tpu.memory_space<hbm>> -> memref<128xi32, #tpu.memory_space<hbm>>
          tpu.wait_dma2 semaphore(%run_scoped3A_72 : memref<!tpu.dma_semaphore, #tpu.memory_space<semaphore_mem>>) src(%dma_wait3A_84 : memref<128xi32, #tpu.memory_space<hbm>>) dst(%arg7 : memref<128xi32, #tpu.memory_space<vmem>>)
          tpu.yield
        }) : () -> ()
        %dma_start3A_64 = arith.constant 0 : i32
        %dma_start3A_65 = arith.constant 0 : i32
        %dma_start3A_66 = arith.constant 0 : i32
        %dma_start3A_67 = tpu.memref_slice %arg10[%dma_start3A_64, %dma_start3A_65, %dma_start3A_66] : memref<2x128x128xf32, #tpu.memory_space<vmem>> -> memref<1x128x128xf32, #tpu.memory_space<vmem>>
        %dma_start3A_68 = tpu.memref_squeeze %dma_start3A_67 : memref<1x128x128xf32, #tpu.memory_space<vmem>> -> memref<128x128xf32, #tpu.memory_space<vmem>>
        %dma_start3A_69 = arith.constant 0 : i32
        %dma_start3A_70 = arith.constant 0 : i32
        %dma_start3A_71 = tpu.memref_slice %arg2[%dma_start3A_69, %dma_start3A_70] : memref<10240x128xf32, #tpu.memory_space<hbm>> -> memref<10240x128xf32, #tpu.memory_space<hbm>>
        tpu.enqueue_indirect_dma source(%dma_start3A_71 : memref<10240x128xf32, #tpu.memory_space<hbm>>) target(%dma_start3A_68 : memref<128x128xf32, #tpu.memory_space<vmem>>) offsets(%arg7 : memref<128xi32, #tpu.memory_space<vmem>>) semaphore(%arg12 : memref<!tpu.dma_semaphore, #tpu.memory_space<semaphore_mem>>)
      } else {
      }
      %mul3A_42 = arith.constant 2 : i32
      %mul3A_43 = arith.muli %scan3A_25, %mul3A_42 : i32
      %add3A_44 = arith.constant 1 : i32
      %add3A_45 = arith.addi %mul3A_43, %add3A_44 : i32
      %dma_wait3A_46 = arith.constant 1 : i32
      %dma_wait3A_47 = arith.constant 0 : i32
      %dma_wait3A_48 = arith.constant 0 : i32
      %dma_wait3A_49 = tpu.memref_slice %arg10[%dma_wait3A_46, %dma_wait3A_47, %dma_wait3A_48] : memref<2x128x128xf32, #tpu.memory_space<vmem>> -> memref<1x128x128xf32, #tpu.memory_space<vmem>>
      %dma_wait3A_50 = tpu.memref_squeeze %dma_wait3A_49 : memref<1x128x128xf32, #tpu.memory_space<vmem>> -> memref<128x128xf32, #tpu.memory_space<vmem>>
      %dma_wait3A_51 = arith.constant 0 : i32
      %dma_wait3A_52 = arith.constant 0 : i32
      %dma_wait3A_53 = tpu.memref_slice %arg2[%dma_wait3A_51, %dma_wait3A_52] : memref<10240x128xf32, #tpu.memory_space<hbm>> -> memref<10240x128xf32, #tpu.memory_space<hbm>>
      tpu.wait_indirect_dma semaphore(%arg13 : memref<!tpu.dma_semaphore, #tpu.memory_space<semaphore_mem>>) src(%dma_wait3A_53 : memref<10240x128xf32, #tpu.memory_space<hbm>>) dst(%dma_wait3A_50 : memref<128x128xf32, #tpu.memory_space<vmem>>)
      "tpu.region"() ({
        %run_scoped3A_62 = tpu.sem_alloc : memref<!tpu.dma_semaphore, #tpu.memory_space<semaphore_mem>>
        %dma_start3A_63 = arith.constant 0 : i32
        %dma_start3A_64 = tpu.memref_slice %arg4[%add3A, %add3A_45, %dma_start3A_63] : memref<32x80x128xi32, #tpu.memory_space<hbm>> -> memref<1x1x128xi32, #tpu.memory_space<hbm>>
        %dma_start3A_65 = tpu.memref_squeeze %dma_start3A_64 : memref<1x1x128xi32, #tpu.memory_space<hbm>> -> memref<128xi32, #tpu.memory_space<hbm>>
        %dma_start3A_66 = arith.constant 0 : i32
        %dma_start3A_67 = tpu.memref_slice %arg4[%add3A, %add3A_45, %dma_start3A_66] : memref<32x80x128xi32, #tpu.memory_space<hbm>> -> memref<1x1x128xi32, #tpu.memory_space<hbm>>
        %dma_start3A_68 = tpu.memref_squeeze %dma_start3A_67 : memref<1x1x128xi32, #tpu.memory_space<hbm>> -> memref<128xi32, #tpu.memory_space<hbm>>
        tpu.enqueue_dma source(%dma_start3A_68 : memref<128xi32, #tpu.memory_space<hbm>>) target(%arg9 : memref<128xi32, #tpu.memory_space<vmem>>) target_semaphore(%run_scoped3A_62 : memref<!tpu.dma_semaphore, #tpu.memory_space<semaphore_mem>>)
        %dma_wait3A_69 = arith.constant 0 : i32
        %dma_wait3A_70 = tpu.memref_slice %arg4[%add3A, %add3A_45, %dma_wait3A_69] : memref<32x80x128xi32, #tpu.memory_space<hbm>> -> memref<1x1x128xi32, #tpu.memory_space<hbm>>
        %dma_wait3A_71 = tpu.memref_squeeze %dma_wait3A_70 : memref<1x1x128xi32, #tpu.memory_space<hbm>> -> memref<128xi32, #tpu.memory_space<hbm>>
        %dma_wait3A_72 = arith.constant 0 : i32
        %dma_wait3A_73 = tpu.memref_slice %arg4[%add3A, %add3A_45, %dma_wait3A_72] : memref<32x80x128xi32, #tpu.memory_space<hbm>> -> memref<1x1x128xi32, #tpu.memory_space<hbm>>
        %dma_wait3A_74 = tpu.memref_squeeze %dma_wait3A_73 : memref<1x1x128xi32, #tpu.memory_space<hbm>> -> memref<128xi32, #tpu.memory_space<hbm>>
        tpu.wait_dma2 semaphore(%run_scoped3A_62 : memref<!tpu.dma_semaphore, #tpu.memory_space<semaphore_mem>>) src(%dma_wait3A_74 : memref<128xi32, #tpu.memory_space<hbm>>) dst(%arg9 : memref<128xi32, #tpu.memory_space<vmem>>)
        tpu.yield
      }) : () -> ()
      %run_scoped3A_54 = arith.constant 1 : i32
      "tpu.region"() ({
        %run_scoped3A_62 = tpu.sem_alloc : memref<!tpu.dma_semaphore, #tpu.memory_space<semaphore_mem>>
        %dma_start3A_63 = arith.constant 0 : i32
        %dma_start3A_64 = arith.constant 0 : i32
        %dma_start3A_65 = tpu.memref_slice %arg10[%run_scoped3A_54, %dma_start3A_63, %dma_start3A_64] : memref<2x128x128xf32, #tpu.memory_space<vmem>> -> memref<1x128x128xf32, #tpu.memory_space<vmem>>
        %dma_start3A_66 = tpu.memref_squeeze %dma_start3A_65 : memref<1x128x128xf32, #tpu.memory_space<vmem>> -> memref<128x128xf32, #tpu.memory_space<vmem>>
        %dma_start3A_67 = arith.constant 0 : i32
        %dma_start3A_68 = arith.constant 0 : i32
        %dma_start3A_69 = tpu.memref_slice %arg11[%dma_start3A_67, %dma_start3A_68] : memref<10240x128xf32, #tpu.memory_space<vmem_shared>> -> memref<10240x128xf32, #tpu.memory_space<vmem_shared>>
        tpu.enqueue_indirect_dma source(%dma_start3A_66 : memref<128x128xf32, #tpu.memory_space<vmem>>) target(%dma_start3A_69 : memref<10240x128xf32, #tpu.memory_space<vmem_shared>>) offsets(%arg9 : memref<128xi32, #tpu.memory_space<vmem>>) semaphore(%run_scoped3A_62 : memref<!tpu.dma_semaphore, #tpu.memory_space<semaphore_mem>>) {add = true}
        %dma_wait3A_70 = arith.constant 0 : i32
        %dma_wait3A_71 = arith.constant 0 : i32
        %dma_wait3A_72 = tpu.memref_slice %arg10[%run_scoped3A_54, %dma_wait3A_70, %dma_wait3A_71] : memref<2x128x128xf32, #tpu.memory_space<vmem>> -> memref<1x128x128xf32, #tpu.memory_space<vmem>>
        %dma_wait3A_73 = tpu.memref_squeeze %dma_wait3A_72 : memref<1x128x128xf32, #tpu.memory_space<vmem>> -> memref<128x128xf32, #tpu.memory_space<vmem>>
        %dma_wait3A_74 = arith.constant 0 : i32
        %dma_wait3A_75 = arith.constant 0 : i32
        %dma_wait3A_76 = tpu.memref_slice %arg11[%dma_wait3A_74, %dma_wait3A_75] : memref<10240x128xf32, #tpu.memory_space<vmem_shared>> -> memref<10240x128xf32, #tpu.memory_space<vmem_shared>>
        tpu.wait_indirect_dma semaphore(%run_scoped3A_62 : memref<!tpu.dma_semaphore, #tpu.memory_space<semaphore_mem>>) src(%dma_wait3A_73 : memref<128x128xf32, #tpu.memory_space<vmem>>) dst(%dma_wait3A_76 : memref<10240x128xf32, #tpu.memory_space<vmem_shared>>)
        tpu.yield
      }) : () -> ()
      %add3A_55 = arith.constant 2 : i32
      %add3A_56 = arith.addi %add3A_45, %add3A_55 : i32
      %lt3A_57 = arith.constant 80 : i32
      %lt3A_58 = arith.cmpi slt, %add3A_56, %lt3A_57 : i32
      %convert_element_type3A_59 = arith.extui %lt3A_58 : i1 to i32
      %cond3A_60 = arith.constant 0 : i32
      %cond3A_61 = arith.cmpi ne, %convert_element_type3A_59, %cond3A_60 : i32
      scf.if %cond3A_61 {
        %add3A_62 = arith.constant 2 : i32
        %add3A_63 = arith.addi %add3A_45, %add3A_62 : i32
        "tpu.region"() ({
          %run_scoped3A_72 = tpu.sem_alloc : memref<!tpu.dma_semaphore, #tpu.memory_space<semaphore_mem>>
          %dma_start3A_73 = arith.constant 0 : i32
          %dma_start3A_74 = tpu.memref_slice %arg3[%add3A, %add3A_63, %dma_start3A_73] : memref<32x80x128xi32, #tpu.memory_space<hbm>> -> memref<1x1x128xi32, #tpu.memory_space<hbm>>
          %dma_start3A_75 = tpu.memref_squeeze %dma_start3A_74 : memref<1x1x128xi32, #tpu.memory_space<hbm>> -> memref<128xi32, #tpu.memory_space<hbm>>
          %dma_start3A_76 = arith.constant 0 : i32
          %dma_start3A_77 = tpu.memref_slice %arg3[%add3A, %add3A_63, %dma_start3A_76] : memref<32x80x128xi32, #tpu.memory_space<hbm>> -> memref<1x1x128xi32, #tpu.memory_space<hbm>>
          %dma_start3A_78 = tpu.memref_squeeze %dma_start3A_77 : memref<1x1x128xi32, #tpu.memory_space<hbm>> -> memref<128xi32, #tpu.memory_space<hbm>>
          tpu.enqueue_dma source(%dma_start3A_78 : memref<128xi32, #tpu.memory_space<hbm>>) target(%arg8 : memref<128xi32, #tpu.memory_space<vmem>>) target_semaphore(%run_scoped3A_72 : memref<!tpu.dma_semaphore, #tpu.memory_space<semaphore_mem>>)
          %dma_wait3A_79 = arith.constant 0 : i32
          %dma_wait3A_80 = tpu.memref_slice %arg3[%add3A, %add3A_63, %dma_wait3A_79] : memref<32x80x128xi32, #tpu.memory_space<hbm>> -> memref<1x1x128xi32, #tpu.memory_space<hbm>>
          %dma_wait3A_81 = tpu.memref_squeeze %dma_wait3A_80 : memref<1x1x128xi32, #tpu.memory_space<hbm>> -> memref<128xi32, #tpu.memory_space<hbm>>
          %dma_wait3A_82 = arith.constant 0 : i32
          %dma_wait3A_83 = tpu.memref_slice %arg3[%add3A, %add3A_63, %dma_wait3A_82] : memref<32x80x128xi32, #tpu.memory_space<hbm>> -> memref<1x1x128xi32, #tpu.memory_space<hbm>>
          %dma_wait3A_84 = tpu.memref_squeeze %dma_wait3A_83 : memref<1x1x128xi32, #tpu.memory_space<hbm>> -> memref<128xi32, #tpu.memory_space<hbm>>
          tpu.wait_dma2 semaphore(%run_scoped3A_72 : memref<!tpu.dma_semaphore, #tpu.memory_space<semaphore_mem>>) src(%dma_wait3A_84 : memref<128xi32, #tpu.memory_space<hbm>>) dst(%arg8 : memref<128xi32, #tpu.memory_space<vmem>>)
          tpu.yield
        }) : () -> ()
        %dma_start3A_64 = arith.constant 1 : i32
        %dma_start3A_65 = arith.constant 0 : i32
        %dma_start3A_66 = arith.constant 0 : i32
        %dma_start3A_67 = tpu.memref_slice %arg10[%dma_start3A_64, %dma_start3A_65, %dma_start3A_66] : memref<2x128x128xf32, #tpu.memory_space<vmem>> -> memref<1x128x128xf32, #tpu.memory_space<vmem>>
        %dma_start3A_68 = tpu.memref_squeeze %dma_start3A_67 : memref<1x128x128xf32, #tpu.memory_space<vmem>> -> memref<128x128xf32, #tpu.memory_space<vmem>>
        %dma_start3A_69 = arith.constant 0 : i32
        %dma_start3A_70 = arith.constant 0 : i32
        %dma_start3A_71 = tpu.memref_slice %arg2[%dma_start3A_69, %dma_start3A_70] : memref<10240x128xf32, #tpu.memory_space<hbm>> -> memref<10240x128xf32, #tpu.memory_space<hbm>>
        tpu.enqueue_indirect_dma source(%dma_start3A_71 : memref<10240x128xf32, #tpu.memory_space<hbm>>) target(%dma_start3A_68 : memref<128x128xf32, #tpu.memory_space<vmem>>) offsets(%arg8 : memref<128xi32, #tpu.memory_space<vmem>>) semaphore(%arg13 : memref<!tpu.dma_semaphore, #tpu.memory_space<semaphore_mem>>)
      } else {
      }
    }
    %scan3A_23 = arith.constant 40 : i32
    %barrier3A_24 = arith.constant 0 : index
    tpu.barrier barrier_id(%barrier3A_24)
    "tpu.region"() ({
      %run_scoped3A_25 = tpu.sem_alloc : memref<!tpu.dma_semaphore, #tpu.memory_space<semaphore_mem>>
      %dma_start3A_26 = arith.constant 0 : i32
      %dma_start3A_27 = tpu.memref_slice %arg6[%arg0, %mul3A_2, %dma_start3A_26] : memref<2x10240x128xf32, #tpu.memory_space<hbm>> -> memref<1x640x128xf32, #tpu.memory_space<hbm>>
      %dma_start3A_28 = tpu.memref_squeeze %dma_start3A_27 : memref<1x640x128xf32, #tpu.memory_space<hbm>> -> memref<640x128xf32, #tpu.memory_space<hbm>>
      %dma_start3A_29 = arith.constant 0 : i32
      %dma_start3A_30 = tpu.memref_slice %arg11[%mul3A_2, %dma_start3A_29] : memref<10240x128xf32, #tpu.memory_space<vmem_shared>> -> memref<640x128xf32, #tpu.memory_space<vmem_shared>>
      tpu.enqueue_dma source(%dma_start3A_30 : memref<640x128xf32, #tpu.memory_space<vmem_shared>>) target(%dma_start3A_28 : memref<640x128xf32, #tpu.memory_space<hbm>>) target_semaphore(%run_scoped3A_25 : memref<!tpu.dma_semaphore, #tpu.memory_space<semaphore_mem>>)
      %dma_wait3A = arith.constant 0 : i32
      %dma_wait3A_31 = tpu.memref_slice %arg6[%arg0, %mul3A_2, %dma_wait3A] : memref<2x10240x128xf32, #tpu.memory_space<hbm>> -> memref<1x640x128xf32, #tpu.memory_space<hbm>>
      %dma_wait3A_32 = tpu.memref_squeeze %dma_wait3A_31 : memref<1x640x128xf32, #tpu.memory_space<hbm>> -> memref<640x128xf32, #tpu.memory_space<hbm>>
      %dma_wait3A_33 = arith.constant 0 : i32
      %dma_wait3A_34 = tpu.memref_slice %arg11[%mul3A_2, %dma_wait3A_33] : memref<10240x128xf32, #tpu.memory_space<vmem_shared>> -> memref<640x128xf32, #tpu.memory_space<vmem_shared>>
      tpu.wait_dma2 semaphore(%run_scoped3A_25 : memref<!tpu.dma_semaphore, #tpu.memory_space<semaphore_mem>>) src(%dma_wait3A_34 : memref<640x128xf32, #tpu.memory_space<vmem_shared>>) dst(%dma_wait3A_32 : memref<640x128xf32, #tpu.memory_space<hbm>>)
      tpu.yield
    }) : () -> ()
    return
  }
}

module attributes {stable_mosaic.version = 14 : i64} {
  func.func @_h1_body(%arg0: i32, %arg1: memref<1024x128xf32, #tpu.memory_space<vmem>>, %arg2: memref<128x128xf32, #tpu.memory_space<vmem>>, %arg3: memref<2x1024x128xf32, #tpu.memory_space<vmem>>, %arg4: memref<1024x128xf32, #tpu.memory_space<vmem>>) attributes {dimension_semantics = [#tpu.dimension_semantics<arbitrary>], iteration_bounds = array<i64: 10>, scalar_prefetch = 0 : i64, scratch_operands = 0 : i64, tpu.core_type = #tpu.core_type<tc>, window_params = [{transform_indices = @transform_0, window_bounds = array<i64: 1024, 128>}, {pipeline_mode = #tpu.pipeline_mode<synchronous>, transform_indices = @transform_1, window_bounds = array<i64: 128, 128>}, {transform_indices = @transform_2, window_bounds = array<i64: 2, 1024, 128>}, {transform_indices = @transform_3, window_bounds = array<i64: 1024, 128>}]} {
    %get3A = arith.constant 0 : index
    %get3A_0 = arith.constant 0 : index
    %get3A_1 = vector.load %arg1[%get3A, %get3A_0] : memref<1024x128xf32, #tpu.memory_space<vmem>>, vector<1024x128xf32>
    %get3A_2 = arith.constant 0 : index
    %get3A_3 = arith.constant 0 : index
    %get3A_4 = vector.load %arg2[%get3A_2, %get3A_3] : memref<128x128xf32, #tpu.memory_space<vmem>>, vector<128x128xf32>
    %dot_general3A = arith.constant dense<0.000000e+00> : vector<1024x128xf32>
    %dot_general3A_5 = tpu.matmul %get3A_1, %get3A_4, %dot_general3A {dimension_numbers = #tpu.dot_dimension_numbers<[1], [0], [0], [1], [0, 0, 1, 1], [], []>, transpose_lhs_hint = false} : vector<1024x128xf32>, vector<128x128xf32>, vector<1024x128xf32> -> vector<1024x128xf32>
    %get3A_6 = arith.constant 0 : index
    %get3A_7 = arith.constant 0 : index
    %get3A_8 = arith.constant 0 : index
    %get3A_9 = vector.load %arg3[%get3A_6, %get3A_7, %get3A_8] : memref<2x1024x128xf32, #tpu.memory_space<vmem>>, vector<1x1024x1xf32>
    %get3A_10 = vector.shape_cast %get3A_9 : vector<1x1024x1xf32> to vector<1024x1xf32>
    %get3A_11 = arith.constant 1 : index
    %get3A_12 = arith.constant 0 : index
    %get3A_13 = arith.constant 0 : index
    %get3A_14 = vector.load %arg3[%get3A_11, %get3A_12, %get3A_13] : memref<2x1024x128xf32, #tpu.memory_space<vmem>>, vector<1x1024x1xf32>
    %get3A_15 = vector.shape_cast %get3A_14 : vector<1x1024x1xf32> to vector<1024x1xf32>
    %add3A = arith.addf %get3A_10, %get3A_15 : vector<1024x1xf32>
    %add3A_16 = arith.constant 1.000000e+00 : f32
    %add3A_17 = vector.broadcast %add3A_16 : f32 to vector<1024x1xf32>
    %add3A_18 = arith.addf %add3A, %add3A_17 : vector<1024x1xf32>
    %rsqrt3A = math.rsqrt %add3A_18 : vector<1024x1xf32>
    %mul3A = vector.broadcast %rsqrt3A : vector<1024x1xf32> to vector<1024x128xf32>
    %mul3A_19 = arith.mulf %dot_general3A_5, %mul3A : vector<1024x128xf32>
    %swap3A = arith.constant 0 : index
    %swap3A_20 = arith.constant 0 : index
    %swap3A_21 = vector.load %arg4[%swap3A, %swap3A_20] : memref<1024x128xf32, #tpu.memory_space<vmem>>, vector<1024x128xf32>
    tpu.vector_store %arg4[%swap3A, %swap3A_20], %mul3A_19 {strides = array<i32>} : memref<1024x128xf32, #tpu.memory_space<vmem>>, vector<1024x128xf32>,
    return
  }
  func.func @transform_0(%arg0: i32) -> (i32, i32) {
    %c0_i32 = arith.constant 0 : i32
    %c0_i32_0 = arith.constant 0 : i32
    return %arg0, %c0_i32 : i32, i32
  }
  func.func @transform_1(%arg0: i32) -> (i32, i32) {
    %c0_i32 = arith.constant 0 : i32
    %c0_i32_0 = arith.constant 0 : i32
    %c0_i32_1 = arith.constant 0 : i32
    return %c0_i32, %c0_i32_0 : i32, i32
  }
  func.func @transform_2(%arg0: i32) -> (i32, i32, i32) {
    %c0_i32 = arith.constant 0 : i32
    %c0_i32_0 = arith.constant 0 : i32
    %c0_i32_1 = arith.constant 0 : i32
    return %c0_i32, %arg0, %c0_i32_0 : i32, i32, i32
  }
  func.func @transform_3(%arg0: i32) -> (i32, i32) {
    %c0_i32 = arith.constant 0 : i32
    %c0_i32_0 = arith.constant 0 : i32
    return %arg0, %c0_i32 : i32, i32
  }
}

module attributes {stable_mosaic.version = 14 : i64} {
  func.func @_h2_body(%arg0: i32, %arg1: memref<2x1024x128xf32, #tpu.memory_space<vmem>>, %arg2: memref<1024x128xf32, #tpu.memory_space<vmem>>, %arg3: memref<2x1024x128xf32, #tpu.memory_space<vmem>>, %arg4: memref<1x128xf32, #tpu.memory_space<vmem>>, %arg5: memref<1024x128xf32, #tpu.memory_space<vmem>>) attributes {dimension_semantics = [#tpu.dimension_semantics<arbitrary>], iteration_bounds = array<i64: 10>, scalar_prefetch = 0 : i64, scratch_operands = 0 : i64, tpu.core_type = #tpu.core_type<tc>, window_params = [{transform_indices = @transform_0, window_bounds = array<i64: 2, 1024, 128>}, {transform_indices = @transform_1, window_bounds = array<i64: 1024, 128>}, {transform_indices = @transform_2, window_bounds = array<i64: 2, 1024, 128>}, {pipeline_mode = #tpu.pipeline_mode<synchronous>, transform_indices = @transform_3, window_bounds = array<i64: 1, 128>}, {transform_indices = @transform_4, window_bounds = array<i64: 1024, 128>}]} {
    %get3A = arith.constant 0 : index
    %get3A_0 = arith.constant 0 : index
    %get3A_1 = arith.constant 0 : index
    %get3A_2 = vector.load %arg3[%get3A, %get3A_0, %get3A_1] : memref<2x1024x128xf32, #tpu.memory_space<vmem>>, vector<1x1024x1xf32>
    %get3A_3 = vector.shape_cast %get3A_2 : vector<1x1024x1xf32> to vector<1024x1xf32>
    %get3A_4 = arith.constant 1 : index
    %get3A_5 = arith.constant 0 : index
    %get3A_6 = arith.constant 0 : index
    %get3A_7 = vector.load %arg3[%get3A_4, %get3A_5, %get3A_6] : memref<2x1024x128xf32, #tpu.memory_space<vmem>>, vector<1x1024x1xf32>
    %get3A_8 = vector.shape_cast %get3A_7 : vector<1x1024x1xf32> to vector<1024x1xf32>
    %add3A = arith.addf %get3A_3, %get3A_8 : vector<1024x1xf32>
    %add3A_9 = arith.constant 1.000000e+00 : f32
    %add3A_10 = vector.broadcast %add3A_9 : f32 to vector<1024x1xf32>
    %add3A_11 = arith.addf %add3A, %add3A_10 : vector<1024x1xf32>
    %rsqrt3A = math.rsqrt %add3A_11 : vector<1024x1xf32>
    %get3A_12 = arith.constant 0 : index
    %get3A_13 = arith.constant 0 : index
    %get3A_14 = arith.constant 0 : index
    %get3A_15 = vector.load %arg1[%get3A_12, %get3A_13, %get3A_14] : memref<2x1024x128xf32, #tpu.memory_space<vmem>>, vector<1x1024x128xf32>
    %get3A_16 = vector.shape_cast %get3A_15 : vector<1x1024x128xf32> to vector<1024x128xf32>
    %get3A_17 = arith.constant 1 : index
    %get3A_18 = arith.constant 0 : index
    %get3A_19 = arith.constant 0 : index
    %get3A_20 = vector.load %arg1[%get3A_17, %get3A_18, %get3A_19] : memref<2x1024x128xf32, #tpu.memory_space<vmem>>, vector<1x1024x128xf32>
    %get3A_21 = vector.shape_cast %get3A_20 : vector<1x1024x128xf32> to vector<1024x128xf32>
    %add3A_22 = arith.addf %get3A_16, %get3A_21 : vector<1024x128xf32>
    %get3A_23 = arith.constant 0 : index
    %get3A_24 = arith.constant 0 : index
    %get3A_25 = vector.load %arg2[%get3A_23, %get3A_24] : memref<1024x128xf32, #tpu.memory_space<vmem>>, vector<1024x128xf32>
    %add3A_26 = arith.addf %add3A_22, %get3A_25 : vector<1024x128xf32>
    %mul3A = vector.broadcast %rsqrt3A : vector<1024x1xf32> to vector<1024x128xf32>
    %mul3A_27 = arith.mulf %add3A_26, %mul3A : vector<1024x128xf32>
    %get3A_28 = arith.constant 0 : index
    %get3A_29 = arith.constant 0 : index
    %get3A_30 = vector.load %arg4[%get3A_28, %get3A_29] : memref<1x128xf32, #tpu.memory_space<vmem>>, vector<1x128xf32>
    %add3A_31 = vector.broadcast %get3A_30 : vector<1x128xf32> to vector<1024x128xf32>
    %add3A_32 = arith.addf %mul3A_27, %add3A_31 : vector<1024x128xf32>
    %max3A = arith.constant 0.000000e+00 : f32
    %max3A_33 = vector.broadcast %max3A : f32 to vector<1024x128xf32>
    %max3A_34 = arith.maximumf %add3A_32, %max3A_33 : vector<1024x128xf32>
    %mul3A_35 = vector.broadcast %rsqrt3A : vector<1024x1xf32> to vector<1024x128xf32>
    %mul3A_36 = arith.mulf %max3A_34, %mul3A_35 : vector<1024x128xf32>
    %swap3A = arith.constant 0 : index
    %swap3A_37 = arith.constant 0 : index
    %swap3A_38 = vector.load %arg5[%swap3A, %swap3A_37] : memref<1024x128xf32, #tpu.memory_space<vmem>>, vector<1024x128xf32>
    tpu.vector_store %arg5[%swap3A, %swap3A_37], %mul3A_36 {strides = array<i32>} : memref<1024x128xf32, #tpu.memory_space<vmem>>, vector<1024x128xf32>,
    return
  }
  func.func @transform_0(%arg0: i32) -> (i32, i32, i32) {
    %c0_i32 = arith.constant 0 : i32
    %c0_i32_0 = arith.constant 0 : i32
    %c0_i32_1 = arith.constant 0 : i32
    return %c0_i32, %arg0, %c0_i32_0 : i32, i32, i32
  }
  func.func @transform_1(%arg0: i32) -> (i32, i32) {
    %c0_i32 = arith.constant 0 : i32
    %c0_i32_0 = arith.constant 0 : i32
    return %arg0, %c0_i32 : i32, i32
  }
  func.func @transform_2(%arg0: i32) -> (i32, i32, i32) {
    %c0_i32 = arith.constant 0 : i32
    %c0_i32_0 = arith.constant 0 : i32
    %c0_i32_1 = arith.constant 0 : i32
    return %c0_i32, %arg0, %c0_i32_0 : i32, i32, i32
  }
  func.func @transform_3(%arg0: i32) -> (i32, i32) {
    %c0_i32 = arith.constant 0 : i32
    %c0_i32_0 = arith.constant 0 : i32
    %c0_i32_1 = arith.constant 0 : i32
    return %c0_i32, %c0_i32_0 : i32, i32
  }
  func.func @transform_4(%arg0: i32) -> (i32, i32) {
    %c0_i32 = arith.constant 0 : i32
    %c0_i32_0 = arith.constant 0 : i32
    return %arg0, %c0_i32 : i32, i32
  }
}

module attributes {stable_mosaic.version = 14 : i64} {
  func.func @_out_body(%arg0: i32, %arg1: memref<2x1024x128xf32, #tpu.memory_space<vmem>>, %arg2: memref<1024x128xf32, #tpu.memory_space<vmem>>, %arg3: memref<2x1024x128xf32, #tpu.memory_space<vmem>>, %arg4: memref<128x64xf32, #tpu.memory_space<vmem>>, %arg5: memref<1x64xf32, #tpu.memory_space<vmem>>, %arg6: memref<1024x64xf32, #tpu.memory_space<vmem>>) attributes {dimension_semantics = [#tpu.dimension_semantics<arbitrary>], iteration_bounds = array<i64: 10>, scalar_prefetch = 0 : i64, scratch_operands = 0 : i64, tpu.core_type = #tpu.core_type<tc>, window_params = [{transform_indices = @transform_0, window_bounds = array<i64: 2, 1024, 128>}, {transform_indices = @transform_1, window_bounds = array<i64: 1024, 128>}, {transform_indices = @transform_2, window_bounds = array<i64: 2, 1024, 128>}, {pipeline_mode = #tpu.pipeline_mode<synchronous>, transform_indices = @transform_3, window_bounds = array<i64: 128, 64>}, {pipeline_mode = #tpu.pipeline_mode<synchronous>, transform_indices = @transform_4, window_bounds = array<i64: 1, 64>}, {transform_indices = @transform_5, window_bounds = array<i64: 1024, 64>}]} {
    %get3A = arith.constant 0 : index
    %get3A_0 = arith.constant 0 : index
    %get3A_1 = arith.constant 0 : index
    %get3A_2 = vector.load %arg3[%get3A, %get3A_0, %get3A_1] : memref<2x1024x128xf32, #tpu.memory_space<vmem>>, vector<1x1024x1xf32>
    %get3A_3 = vector.shape_cast %get3A_2 : vector<1x1024x1xf32> to vector<1024x1xf32>
    %get3A_4 = arith.constant 1 : index
    %get3A_5 = arith.constant 0 : index
    %get3A_6 = arith.constant 0 : index
    %get3A_7 = vector.load %arg3[%get3A_4, %get3A_5, %get3A_6] : memref<2x1024x128xf32, #tpu.memory_space<vmem>>, vector<1x1024x1xf32>
    %get3A_8 = vector.shape_cast %get3A_7 : vector<1x1024x1xf32> to vector<1024x1xf32>
    %add3A = arith.addf %get3A_3, %get3A_8 : vector<1024x1xf32>
    %add3A_9 = arith.constant 1.000000e+00 : f32
    %add3A_10 = vector.broadcast %add3A_9 : f32 to vector<1024x1xf32>
    %add3A_11 = arith.addf %add3A, %add3A_10 : vector<1024x1xf32>
    %rsqrt3A = math.rsqrt %add3A_11 : vector<1024x1xf32>
    %get3A_12 = arith.constant 0 : index
    %get3A_13 = arith.constant 0 : index
    %get3A_14 = arith.constant 0 : index
    %get3A_15 = vector.load %arg1[%get3A_12, %get3A_13, %get3A_14] : memref<2x1024x128xf32, #tpu.memory_space<vmem>>, vector<1x1024x128xf32>
    %get3A_16 = vector.shape_cast %get3A_15 : vector<1x1024x128xf32> to vector<1024x128xf32>
    %get3A_17 = arith.constant 1 : index
    %get3A_18 = arith.constant 0 : index
    %get3A_19 = arith.constant 0 : index
    %get3A_20 = vector.load %arg1[%get3A_17, %get3A_18, %get3A_19] : memref<2x1024x128xf32, #tpu.memory_space<vmem>>, vector<1x1024x128xf32>
    %get3A_21 = vector.shape_cast %get3A_20 : vector<1x1024x128xf32> to vector<1024x128xf32>
    %add3A_22 = arith.addf %get3A_16, %get3A_21 : vector<1024x128xf32>
    %get3A_23 = arith.constant 0 : index
    %get3A_24 = arith.constant 0 : index
    %get3A_25 = vector.load %arg2[%get3A_23, %get3A_24] : memref<1024x128xf32, #tpu.memory_space<vmem>>, vector<1024x128xf32>
    %add3A_26 = arith.addf %add3A_22, %get3A_25 : vector<1024x128xf32>
    %mul3A = vector.broadcast %rsqrt3A : vector<1024x1xf32> to vector<1024x128xf32>
    %mul3A_27 = arith.mulf %add3A_26, %mul3A : vector<1024x128xf32>
    %get3A_28 = arith.constant 0 : index
    %get3A_29 = arith.constant 0 : index
    %get3A_30 = vector.load %arg4[%get3A_28, %get3A_29] : memref<128x64xf32, #tpu.memory_space<vmem>>, vector<128x64xf32>
    %dot_general3A = arith.constant dense<0.000000e+00> : vector<1024x64xf32>
    %dot_general3A_31 = tpu.matmul %mul3A_27, %get3A_30, %dot_general3A {dimension_numbers = #tpu.dot_dimension_numbers<[1], [0], [0], [1], [0, 0, 1, 1], [], []>, transpose_lhs_hint = false} : vector<1024x128xf32>, vector<128x64xf32>, vector<1024x64xf32> -> vector<1024x64xf32>
    %get3A_32 = arith.constant 0 : index
    %get3A_33 = arith.constant 0 : index
    %get3A_34 = vector.load %arg5[%get3A_32, %get3A_33] : memref<1x64xf32, #tpu.memory_space<vmem>>, vector<1x64xf32>
    %add3A_35 = vector.broadcast %get3A_34 : vector<1x64xf32> to vector<1024x64xf32>
    %add3A_36 = arith.addf %dot_general3A_31, %add3A_35 : vector<1024x64xf32>
    %iota3A = tpu.iota {dimensions = array<i32: 1>} : vector<1024x64xi32>
    %lt3A = arith.constant 40 : i32
    %lt3A_37 = vector.broadcast %lt3A : i32 to vector<1024x64xi32>
    %lt3A_38 = arith.cmpi slt, %iota3A, %lt3A_37 : vector<1024x64xi32>
    %jit3A = arith.constant 0xFF800000 : f32
    %broadcast_in_dim3A = vector.broadcast %jit3A : f32 to vector<1024x64xf32>
    %select_n3A = arith.select %lt3A_38, %add3A_36, %broadcast_in_dim3A : vector<1024x64xi1>, vector<1024x64xf32>
    %reduce_max3A = arith.constant dense<0xFF800000> : vector<1024xf32>
    %reduce_max3A_39 = vector.multi_reduction <maximumf>, %select_n3A, %reduce_max3A [1] : vector<1024x64xf32> to vector<1024xf32>
    %broadcast_in_dim3A_40 = vector.shape_cast %reduce_max3A_39 : vector<1024xf32> to vector<1024x1xf32>
    %sub3A = vector.broadcast %broadcast_in_dim3A_40 : vector<1024x1xf32> to vector<1024x64xf32>
    %sub3A_41 = arith.subf %add3A_36, %sub3A : vector<1024x64xf32>
    %exp3A = math.exp %sub3A_41 : vector<1024x64xf32>
    %jit3A_42 = arith.constant 0.000000e+00 : f32
    %broadcast_in_dim3A_43 = vector.broadcast %jit3A_42 : f32 to vector<1024x64xf32>
    %select_n3A_44 = arith.select %lt3A_38, %exp3A, %broadcast_in_dim3A_43 : vector<1024x64xi1>, vector<1024x64xf32>
    %reduce_sum3A = arith.constant dense<0.000000e+00> : vector<1024xf32>
    %reduce_sum3A_45 = vector.multi_reduction <add>, %select_n3A_44, %reduce_sum3A [1] : vector<1024x64xf32> to vector<1024xf32>
    %broadcast_in_dim3A_46 = vector.shape_cast %reduce_sum3A_45 : vector<1024xf32> to vector<1024x1xf32>
    %log3A = math.log %broadcast_in_dim3A_46 : vector<1024x1xf32>
    %sub3A_47 = vector.broadcast %log3A : vector<1024x1xf32> to vector<1024x64xf32>
    %sub3A_48 = arith.subf %sub3A_41, %sub3A_47 : vector<1024x64xf32>
    %swap3A = arith.constant 0 : index
    %swap3A_49 = arith.constant 0 : index
    %swap3A_50 = vector.load %arg6[%swap3A, %swap3A_49] : memref<1024x64xf32, #tpu.memory_space<vmem>>, vector<1024x64xf32>
    tpu.vector_store %arg6[%swap3A, %swap3A_49], %sub3A_48 {strides = array<i32>} : memref<1024x64xf32, #tpu.memory_space<vmem>>, vector<1024x64xf32>,
    return
  }
  func.func @transform_0(%arg0: i32) -> (i32, i32, i32) {
    %c0_i32 = arith.constant 0 : i32
    %c0_i32_0 = arith.constant 0 : i32
    %c0_i32_1 = arith.constant 0 : i32
    return %c0_i32, %arg0, %c0_i32_0 : i32, i32, i32
  }
  func.func @transform_1(%arg0: i32) -> (i32, i32) {
    %c0_i32 = arith.constant 0 : i32
    %c0_i32_0 = arith.constant 0 : i32
    return %arg0, %c0_i32 : i32, i32
  }
  func.func @transform_2(%arg0: i32) -> (i32, i32, i32) {
    %c0_i32 = arith.constant 0 : i32
    %c0_i32_0 = arith.constant 0 : i32
    %c0_i32_1 = arith.constant 0 : i32
    return %c0_i32, %arg0, %c0_i32_0 : i32, i32, i32
  }
  func.func @transform_3(%arg0: i32) -> (i32, i32) {
    %c0_i32 = arith.constant 0 : i32
    %c0_i32_0 = arith.constant 0 : i32
    %c0_i32_1 = arith.constant 0 : i32
    return %c0_i32, %c0_i32_0 : i32, i32
  }
  func.func @transform_4(%arg0: i32) -> (i32, i32) {
    %c0_i32 = arith.constant 0 : i32
    %c0_i32_0 = arith.constant 0 : i32
    %c0_i32_1 = arith.constant 0 : i32
    return %c0_i32, %c0_i32_0 : i32, i32
  }
  func.func @transform_5(%arg0: i32) -> (i32, i32) {
    %c0_i32 = arith.constant 0 : i32
    %c0_i32_0 = arith.constant 0 : i32
    return %arg0, %c0_i32 : i32, i32
  }
}

</mosaic_0001>

<sc_bundles>
// kernel: kernel.11.cloned.1.call-start
scs
__scs_entry_jumppad:
0x0: {  	(pc) =	sbr.rel $0x88, $3  }
0x1: {  	(tag) =	ssettag $0x0;
	lr =	simm.s32 $0x1  }
0x2: {  	[smem:$0x3F9B] =	sst lr;
	_ =	strace $0xD0000000  }
0x3: {  	_ = 	snop  }
0x4: {  	_ = 	snop  }
0x5: {  	_ = 	snop  }
0x6: {  	_ = 	snop  }
0x7: {  	_ = 	snop  }
__scs_overlays_trampoline_lowered:
0x8: {  	[smem:$0x3FAA] =	sst s0  }
0x9: {  	[smem:$0x3FAB] =	sst s1  }
0xa: {  	[smem:$0x3FAC] =	sst s2  }
0xb: {  	[smem:$0x3FAD] =	sst s3  }
0xc: {  	[smem:$0x3FAE] =	sst s4  }
0xd: {  	[smem:$0x3FAF] =	sst s5  }
0xe: {  	[smem:$0x3FB0] =	sst s6  }
0xf: {  	[smem:$0x3FB1] =	sst s7  }
0x10: {  	[smem:$0x3FB2] =	sst s8  }
0x11: {  	[smem:$0x3FB3] =	sst s9;
	s0 =	simm.s32 @!p0 $0x0  }
0x12: {  	s1 =	sld [smem:$0x3F99];
	s0 =	simm.s32 @p0 $0x1  }
0x13: {  	[smem:$0x3FB4] =	sst s0;
	s0 =	simm.s32 @!p1 $0x0  }
0x14: {  	s2 =	sld [smem:$0x3F98];
	s0 =	simm.s32 @p1 $0x1  }
0x15: {  	[smem:$0x3FB5] =	sst s0;
	s0 =	simm.s32 @!p2 $0x0  }
0x16: {  	s3 =	sld [smem:$0x3FDB];
	s0 =	simm.s32 @p2 $0x1  }
0x17: {  	s4 =	simm.s32 $0x1BF5;
	[smem:$0x3FB7] =	sst s0  }
0x18: {  	s0 =	sld [smem:$0x3F9A];
	_ =	swait.ge [sflag:s4], $0x0  }
0x19: {  	s7 =	sld [smem:$0x3F9B]  }
0x1a: {  	s8 =	sadd.s32 $0xFFFFE003, lr  }
0x1b: {  	s9 =	sadd.s32 $0xFFFFFEF7, lr;
	s5 =	simm.s32 $0xFFFFFFFF;
	p2 =	slt.u32 s8, $0xFFFFF086  }
0x1c: {  	p1 =	slt.u32 s9, $0xF7A;
	s5 =	simm.s32 @!p2 $0x0  }
0x1d: {  	s5 =	simm.s32 @p1 $0x1;
	p0 =	seq.s32 s7, s2  }
0x1e: {  	s7 =	smul.u32 @!p0 $0xF7A, s2;
	p2 =	seq.s32 @!p0 s5, $0x0  }
0x1f: {  	s9 =	smul.u32 $0xF7A, s1;
	s8 =	simm.s32 @!p0 $0x1BF5;
	p2 =	por !p2, p0  }
0x20: {  	[sflag:s8] =	ssyncset.s32 @!p0 $0xFFFFF086;
	s6 =	sadd.s32 @!p0 s3, s7;
	s7 =	simm.s32 @!p0 $0x108  }
0x21: {  	s3 =	sadd.s32 s3, s9;
	s6 =	sadd.s32 @!p0 $0x88, s6;
	s7 =	simm.s32 @p2 $0x1082  }
0x22: {  	[simem:s7], [sflag:s8] =	dma.local @!p0 [hbm:s6], $0xF7A  }
0x23: {  	s9 =	sor.u32 $0xD0000000, s2;
	s6 =	simm.s32 $0x108;
	_ =	swait.ge @!p0 [sflag:s8], $0x0  }
0x24: {  	s3 =	sadd.s32 $0x88, s3;
	s6 =	simm.s32 @!p1 $0x1082;
	[sflag:s4] =	ssyncset.s32 $0xFFFFF086  }
0x25: {  	[simem:s6], [sflag:s4] =	dma.local [hbm:s3], $0xF7A  }
0x26: {  	[smem:$0x3F9B] =	sst s1;
	(tag) =	ssettag s2;
	_ =	strace s9  }
0x27: {  	s1 =	sld [smem:$0x3FAB]  }
0x28: {  	s2 =	sld [smem:$0x3FAC]  }
0x29: {  	s4 =	sld [smem:$0x3FAE]  }
0x2a: {  	p0 =	seq.s32 s5, $0x0;
	s5 =	sld [smem:$0x3FAF]  }
0x2b: {  	s6 =	sld [smem:$0x3FB0]  }
0x2c: {  	s7 =	sld [smem:$0x3FB1]  }
0x2d: {  	s3 =	simm.s32 $0x108;
	s8 =	sld [smem:$0x3FB2]  }
0x2e: {  	s3 =	simm.s32 @!p0 $0x1082;
	s9 =	sld [smem:$0x3FB3]  }
0x2f: {  	lr =	sadd.s32 s0, s3;
	s0 =	sld [smem:$0x3FAA]  }
0x30: {  	s3 =	sld [smem:$0x3FAD]  }
0x31: {  	[smem:$0x3FB6] =	sst s10  }
0x32: {  	s10 =	sld [smem:$0x3FB4];
	_ =	sdelay $0x3  }
0x33: {  	p0 =	seq.s32 s10, $0x1;
	s10 =	sld [smem:$0x3FB6];
	_ =	sdelay $0x3  }
0x34: {  	[smem:$0x3FB6] =	sst s10  }
0x35: {  	s10 =	sld [smem:$0x3FB5];
	_ =	sdelay $0x3  }
0x36: {  	p1 =	seq.s32 s10, $0x1;
	s10 =	sld [smem:$0x3FB6];
	_ =	sdelay $0x3  }
0x37: {  	[smem:$0x3FB6] =	sst s10  }
0x38: {  	s10 =	sld [smem:$0x3FB7]  }
0x39: {  	_ = 	snop;
	(pc) =	sbr.ind lr, $3  }
0x3a: {  	_ = 	snop  }
0x3b: {  	_ = 	snop  }
0x3c: {  	p2 =	seq.s32 s10, $0x1;
	s10 =	sld [smem:$0x3FB6]  }
0x3d: {  	_ =	shalt  }
0x3e: {  	_ =	shalt  }
0x3f: {  	_ =	shalt  }
0x40: {  	_ =	shalt  }
0x41: {  	_ =	shalt  }
0x42: {  	_ =	shalt  }
0x43: {  	_ =	shalt  }
0x44: {  	_ =	shalt  }
0x45: {  	_ =	shalt  }
0x46: {  	_ =	shalt  }
0x47: {  	_ =	shalt  }
0x48: {  	_ =	shalt  }
0x49: {  	_ =	shalt  }
0x4a: {  	_ =	shalt  }
0x4b: {  	_ =	shalt  }
0x4c: {  	_ =	shalt  }
0x4d: {  	_ =	shalt  }
0x4e: {  	_ =	shalt  }
0x4f: {  	_ =	shalt  }
0x50: {  	_ =	shalt  }
0x51: {  	_ =	shalt  }
0x52: {  	_ =	shalt  }
0x53: {  	_ =	shalt  }
0x54: {  	_ =	shalt  }
0x55: {  	_ =	shalt  }
0x56: {  	_ =	shalt  }
0x57: {  	_ =	shalt  }
0x58: {  	_ =	shalt  }
0x59: {  	_ =	shalt  }
0x5a: {  	_ =	shalt  }
0x5b: {  	_ =	shalt  }
0x5c: {  	_ =	shalt  }
0x5d: {  	_ =	shalt  }
0x5e: {  	_ =	shalt  }
0x5f: {  	_ =	shalt  }
0x60: {  	_ =	shalt  }
0x61: {  	_ =	shalt  }
0x62: {  	_ =	shalt  }
0x63: {  	_ =	shalt  }
0x64: {  	_ =	shalt  }
0x65: {  	_ =	shalt  }
0x66: {  	_ =	shalt  }
0x67: {  	_ =	shalt  }
0x68: {  	_ =	shalt  }
0x69: {  	_ =	shalt  }
0x6a: {  	_ =	shalt  }
0x6b: {  	_ =	shalt  }
0x6c: {  	_ =	shalt  }
0x6d: {  	_ =	shalt  }
0x6e: {  	_ =	shalt  }
0x6f: {  	_ =	shalt  }
0x70: {  	_ =	shalt  }
0x71: {  	_ =	shalt  }
0x72: {  	_ =	shalt  }
0x73: {  	_ =	shalt  }
0x74: {  	_ =	shalt  }
0x75: {  	_ =	shalt  }
0x76: {  	_ =	shalt  }
0x77: {  	_ =	shalt  }
0x78: {  	_ =	shalt  }
0x79: {  	_ =	shalt  }
0x7a: {  	_ =	shalt  }
0x7b: {  	_ =	shalt  }
0x7c: {  	_ =	shalt  }
0x7d: {  	_ =	shalt  }
0x7e: {  	_ =	shalt  }
0x7f: {  	_ =	shalt  }
0x80: {  	_ =	shalt  }
0x81: {  	_ =	shalt  }
0x82: {  	_ =	shalt  }
0x83: {  	_ =	shalt  }
0x84: {  	_ =	shalt  }
0x85: {  	_ =	shalt  }
0x86: {  	_ =	shalt  }
0x87: {  	_ =	shalt  }
.Lfunc_end0:
.L_simem_size_0:
called_computation.1_lowered:
.L_overlay_start_0:
0x88: {  	s2 =	sld [smem:$0x3FD9]  }
0x89: {  	s3 =	sld [smem:$0x3FFE];
	_ =	sdelay $0x1  }
0x8a: {  	s1 =	srdreg.scid  }
0x8b: {  	s0 =	sand.u32 $0x1, s1  }
0x8c: {  	s17 =	sshll.u32 s0, $0xA;
	s2 =	sadd.s32 s3, s2  }
0x8d: {  	s2 =	sadd.s32 s2, s17  }
0x8e: {  	[smem:$0x3FC2] =	sst s2  }
0x8f: {  	_ = 	snop  }
0x90: {  	s2 =	sld [smem:$0x3FD0];
	(tm) =	ssettm $0x1  }
0x91: {  	s18 =	sld [smem:$0x3FFB];
	_ =	sdelay $0x3  }
0x92: {  	_ =	strace s18  }
0x93: {  	s3 =	sld [smem:$0x3FFC];
	_ =	sdelay $0x3  }
0x94: {  	_ =	strace s3  }
0x95: {  	s3 =	sld [smem:$0x3FFD];
	_ =	sdelay $0x3  }
0x96: {  	_ =	strace s3  }
0x97: {  	_ =	strace $0x8FFFFFFF  }
0x98: {  	s19 =	sld [smem:$0x3FDB];
	_ =	sdelay $0x1  }
0x99: {  	s4 =	simm.s32 $_scs_section_size  }
0x9a: {  	s5 =	simm.s32 $_size__tile_overlayer_lowered;
	s6 =	simm.s32 $_tile_overlayer_lowered  }
0x9b: {  	s22 =	simm.s32 $0x1BFF;
	s21 =	sshll.u32 s6, $0x1;
	s3 =	sadd.s32 s4, s19  }
0x9c: {  	s7 =	simm.s32 $0x0;
	s20 =	sshll.u32 s5, $0x1;
	s5 =	sadd.s32 s21, s3  }
0x9d: {  	[timem:s7], [sflag:s22] =	dma.local [hbm:s5], s20  }
0x9e: {  	_ =	swait.ge [sflag:s22], s20  }
0x9f: {  	s4 =	ssub.s32 $0x0, s20;
	[sflag:s22] =	ssyncset.done $0x0  }
0xa0: {  	[sflag:s22] =	ssyncadd.s32 s4;
	_ =	sdelay $0x1  }
0xa1: {  	s23 =	simm.s32 $0x1B8B  }
0xa2: {  	_ =	swait.ge [sflag:s23], $0x1  }
0xa3: {  	[sflag:s23] =	ssyncset.done $0x0  }
0xa4: {  	s25 =	simm.s32 $0x1B8E;
	s24 =	sld [smem:$0x3FFE];
	[sflag:s23] =	ssyncadd.s32 $0xFFFFFFFF  }
0xa5: {  	s26 =	simm.s32 $execute0_lowered;
	[smem:$0x3FD2] =	sst s25  }
0xa6: {  	s5 =	sshll.u32 s26, $0x1;
	_ =	strace $0x80000049;
	[dreg:$0x1] =	wrdreg $0xFFFFFFFF  }
0xa7: {  	s28 =	simm.s32 $_size_execute0_lowered;
	s3 =	sadd.s32 s3, s5;
	[dreg:$0x0] =	wrdreg $0x0  }
0xa8: {  	s5 =	sshll.u32 s28, $0x1;
	[dreg:$0x2] =	wrdreg s3  }
0xa9: {  	[dreg:$0x3] =	wrdreg s5  }
0xaa: {  	[dreg:$0x4] =	wrdreg $0xC0  }
0xab: {  	_ =	task [dreg:s7], $0x5FFFF  }
0xac: {  	[dreg:$0x1] =	wrdreg $0xFFFFFFFF  }
0xad: {  	[dreg:$0x0] =	wrdreg $0x60  }
0xae: {  	[dreg:$0x2] =	wrdreg s24  }
0xaf: {  	[dreg:$0x3] =	wrdreg s2  }
0xb0: {  	[dreg:$0x4] =	wrdreg $0x81800  }
0xb1: {  	[dreg:$0x5] =	wrdreg $0x9  }
0xb2: {  	_ =	task.clear_ibuf [dreg:s7], $0x6FFFF;
	_ =	strace $0x90000049  }
0xb3: {  	s29 =	simm.s32 $0x9;
	_ =	strace $0x8000004B  }
0xb4: {  	_ =	swait.ge [sflag:s29], $0x1  }
0xb5: {  	[sflag:s29] =	ssyncadd.s32 $0xFFFFFFFF  }
0xb6: {  	_ =	strace $0x9000004B  }
0xb7: {  	_ =	sfence  }
0xb8: {  	s30 =	sld [smem:$0x0];
	_ =	sdelay $0x2  }
0xb9: {  	s31 =	sshll.u32 s1, $0xD;
	s1 =	sshrl.u32 s1, $0x2  }
0xba: {  	s3 =	sand.u32 $0x4000, s31;
	s1 =	sadd.s32 s1, s30  }
0xbb: {  	s0 =	sor.u32 s3, s0;
	s1 =	sshll.u32 s1, $0x11  }
0xbc: {  	s0 =	sor.u32 s1, s0  }
0xbd: {  	s0 =	sadd.s32 $0x8F2B, s0  }
0xbe: {  	[sflag:s0] =	ssyncadd.remote.s32 $0x1  }
0xbf: {  	_ =	sfence.sel $0xFFFF  }
0xc0: {  	[dreg:$0x0] =	wrdreg $0xFFFFFFFF;
	(pc) =	sbr.abs _section_cstart, $3  }
0xc1: {  	[dreg:$0x1] =	wrdreg $0xFFFFFFFF  }
0xc2: {  	_ =	task.clear_ibuf [dreg:s7], $0x2FFFF;
	_ =	strace $0x9FFFFFFF  }
0xc3: {  	(tm) =	ssettm $0x7FFFFFFF  }
tec
execute0_lowered:
.L_overlay_start_1:
0x0: {  	(tag) =	ssettag $0x1  }
0x1: {  	s9 =	rddreg [dreg:$0x0]  }
0x2: {  	s1 =	rddreg [dreg:$0x1]  }
0x3: {  	s2 =	rddreg [dreg:$0x2]  }
0x4: {  	s3 =	srdreg.scid;
	s0 =	rddreg [dreg:$0x3]  }
0x5: {  	s4 =	simm.s32 $0x0;
	s15 =	simm.s32 $0x3;
	s16 =	simm.s32 $0x80  }
0x6: {  	s17 =	simm.s32 $0x180;
	s18 =	simm.s32 $0x4180;
	s19 =	simm.s32 $0x1  }
0x7: {  	s20 =	simm.s32 $0x100;
	s21 =	simm.s32 $0x2;
	s22 =	simm.s32 $0x0  }
0x8: {  	s7 =	sand.u32 $0x1, s3;
	s3 =	stileid.u32;
	[smem:$0x7FF] =	sst s4  }
0x9: {  	s5 =	sadd.s32 $0xEA00, s9;
	s6 =	sadd.s32 $0x2200, s9;
	s8 =	smul.u32 $0x140000, s7  }
0xa: {  	s10 =	smul.u32 $0x14000, s3;
	_ =	strace $0x8000004A;
	s25 =	sshll.u32 s7, $0x4  }
0xb: {  	s11 =	ssub.s32 $0x2, s7;
	s28 =	smul.u32 $0x50000, s3;
	s26 =	sor.u32 s3, s25  }
0xc: {  	s30 =	sshll.u32 s3, $0x6;
	s13 =	sshrl.u32 s11, $0x1;
	s7 =	smul.u32 $0x2800, s26  }
.Ltmp0:
0xd: {  	s8 =	sadd.s32 s10, s8;
	s13 =	ssub.s32 s11, s13;
	(pc) =	sbr.rel .LBB2_1-.Ltmp0, $4  }
0xe: {  	s29 =	sshrl.u32 s28, $0x2;
	s12 =	sshrl.u32 s8, $0x3;
	s8 =	sadd.s32 $0xC200, s9  }
0xf: {  	s14 =	sadd.s32 s29, s2;
	s13 =	smax.u32 s13, $0x1;
	s31 =	sshrl.u32 s7, $0x3  }
0x10: {  	s12 =	sadd.s32 s12, s9;
	s9 =	sor.u32 $0x1C03, s30;
	s10 =	sadd.s32 s1, s31  }
0x11: {  	s14 =	sshrl.u32 s14, $0x3;
	s12 =	sadd.s32 $0x86A00, s12;
	s11 =	sadd.s32 $0x10, s10  }
.LBB2_4:
0x12: {  	s22 =	sadd.s32 $0x1, s22  }
0x13: {  	p0 =	sne.s32 s22, s13  }
.Ltmp1:
0x14: {  	[bflag:$0x0] =	sbarrier.arrive $0xFFFF;
	(pc) =	sbr.rel @!p0 .LBB2_5-.Ltmp1, $4  }
0x15: {  	[hbm:s12], [sflag:s9] =	dma.local [spmem:s14], $0x2800  }
0x16: {  	_ =	swait.ge [sflag:s15], $0x2800  }
0x17: {  	[sflag:s15] =	ssyncset.done $0x0  }
0x18: {  	[sflag:s15] =	ssyncadd.s32 $0xFFFFD800  }
.LBB2_1:
0x19: {  	[spmem:s14], [sflag:s9] =	dma.local [hbm:s8], $0x2800  }
0x1a: {  	_ =	swait.ge [sflag:s15], $0x2800  }
0x1b: {  	[sflag:s15] =	ssyncset.done $0x0  }
0x1c: {  	[sflag:s15] =	ssyncadd.s32 $0xFFFFD800  }
0x1d: {  	[bflag:$0x0] =	sbarrier.arrive $0xFFFF  }
0x1e: {  	[tilespmem:s4], [sflag:$0x3] =	stream.linear.gather [hbm4b:s10+s4], $0x80, $0x38;
	[tilespmem:$0x1C180] =	vst v63  }
0x1f: {  	_ =	swait.ge [sflag:s15], $0x80  }
0x20: {  	[sflag:s15] =	ssyncset.done $0x0  }
0x21: {  	[sflag:s15] =	ssyncadd.s32 $0xFFFFFF80  }
0x22: {  	[tilespmem:s17], [sflag:$0x1] =	stream.indirect.gather [hbm4b:s5+s16], $0x80, s4, s16, $0xb8;
	[tilespmem:$0x1C180] =	vst v63  }
0x23: {  	_ = 	snop  }
0x24: {  	[tilespmem:s16], [sflag:$0x3] =	stream.linear.gather [hbm4b:s11+s4], $0x80, $0x38;
	[tilespmem:$0x1C180] =	vst v63  }
0x25: {  	_ =	swait.ge [sflag:s15], $0x80  }
0x26: {  	[sflag:s15] =	ssyncset.done $0x0  }
0x27: {  	s23 =	simm.s32 $0x0;
	[sflag:s15] =	ssyncadd.s32 $0xFFFFFF80  }
0x28: {  	[tilespmem:s18], [sflag:$0x2] =	stream.indirect.gather [hbm4b:s5+s16], $0x80, s16, s16, $0xb8;
	[tilespmem:$0x1C180] =	vst v63  }
.LBB2_2:
0x29: {  	s24 =	sand.u32 $0x3C00, s23  }
0x2a: {  	s25 =	sand.u32 $0x300, s23;
	s24 =	sadd.s32 s7, s24  }
0x2b: {  	_ =	swait.ge [sflag:s19], $0x4000;
	s24 =	sor.u32 s25, s24  }
0x2c: {  	[sflag:s19] =	ssyncset.done $0x0;
	s24 =	sshrl.u32 s24, $0x3  }
0x2d: {  	p0 =	seq.s32 s23, $0x2700;
	[sflag:s19] =	ssyncadd.s32 $0xFFFFC000;
	s31 =	sadd.s32 s6, s24  }
0x2e: {  	[tilespmem:s20], [sflag:$0x3] =	stream.linear.gather [hbm4b:s31+s4], $0x80, $0x38;
	[tilespmem:$0x1C180] =	vst v63  }
0x2f: {  	s25 =	sadd.s32 @!p0 $0x100, s23;
	_ =	swait.ge [sflag:s15], $0x80  }
0x30: {  	s26 =	sand.u32 @!p0 $0x7C00, s25;
	[sflag:s15] =	ssyncset.done $0x0  }
0x31: {  	s25 =	sand.u32 @!p0 $0x300, s25;
	s26 =	sadd.s32 @!p0 s7, s26;
	[sflag:s15] =	ssyncadd.s32 $0xFFFFFF80  }
0x32: {  	[spmem:s2] =	stream.indirect.scatter.add.f32 [tilespmem:s17], [sflag:$0x3], $0x80, s20, s16, $0xb8;
	[tilespmem:$0x1C180] =	vst v63  }
0x33: {  	s25 =	sor.u32 @!p0 s25, s26;
	_ =	swait.ge [sflag:s15], $0x4000  }
0x34: {  	s25 =	sshrl.u32 @!p0 s25, $0x3;
	[sflag:s15] =	ssyncset.done $0x0  }
0x35: {  	s26 =	simm.s32 @!p0 $0x0;
	s25 =	sadd.s32 @!p0 s1, s25;
	[sflag:s15] =	ssyncadd.s32 $0xFFFFC000  }
0x36: {  	[tilespmem:s26], [sflag:$0x3] =	stream.linear.gather @!p0 [hbm4b:s25+s26], $0x80, $0x38;
	[tilespmem:$0x1C180] =	vst v63  }
0x37: {  	s25 =	simm.s32 @!p0 $0x3  }
0x38: {  	_ =	swait.ge @!p0 [sflag:s25], $0x80  }
0x39: {  	[sflag:s25] =	ssyncset.done @!p0 $0x0  }
0x3a: {  	s28 =	simm.s32 @!p0 $0x180;
	[sflag:s25] =	ssyncadd.s32 @!p0 $0xFFFFFF80;
	s25 =	simm.s32 @!p0 $0x80  }
0x3b: {  	[tilespmem:s28], [sflag:$0x1] =	stream.indirect.gather @!p0 [hbm4b:s5+s25], $0x80, s26, s25, $0xb8;
	[tilespmem:$0x1C180] =	vst v63  }
0x3c: {  	_ =	swait.ge [sflag:s21], $0x4000  }
0x3d: {  	s24 =	sadd.s32 s24, s6;
	[sflag:s21] =	ssyncset.done $0x0  }
0x3e: {  	s24 =	sadd.s32 $0x10, s24;
	[sflag:s21] =	ssyncadd.s32 $0xFFFFC000  }
0x3f: {  	[tilespmem:s20], [sflag:$0x3] =	stream.linear.gather [hbm4b:s24+s4], $0x80, $0x38;
	[tilespmem:$0x1C180] =	vst v63  }
0x40: {  	_ =	swait.ge [sflag:s15], $0x80  }
0x41: {  	[sflag:s15] =	ssyncset.done $0x0  }
.Ltmp2:
0x42: {  	[sflag:s15] =	ssyncadd.s32 $0xFFFFFF80;
	(pc) =	sbr.rel @p0 .LBB2_4-.Ltmp2, $4  }
0x43: {  	[spmem:s2] =	stream.indirect.scatter.add.f32 [tilespmem:s18], [sflag:$0x3], $0x80, s20, s16, $0xb8;
	[tilespmem:$0x1C180] =	vst v63  }
0x44: {  	_ =	swait.ge [sflag:s15], $0x4000  }
0x45: {  	[sflag:s15] =	ssyncset.done $0x0  }
0x46: {  	[sflag:s15] =	ssyncadd.s32 $0xFFFFC000  }
0x47: {  	s24 =	sadd.s32 $0x180, s23  }
0x48: {  	s25 =	sand.u32 $0x7C00, s24  }
0x49: {  	s24 =	sand.u32 $0x380, s24;
	s25 =	sadd.s32 s7, s25  }
0x4a: {  	s24 =	sor.u32 s24, s25  }
0x4b: {  	s24 =	sshrl.u32 s24, $0x3  }
0x4c: {  	s24 =	sadd.s32 s1, s24  }
0x4d: {  	[tilespmem:s16], [sflag:$0x3] =	stream.linear.gather [hbm4b:s24+s4], $0x80, $0x38;
	[tilespmem:$0x1C180] =	vst v63  }
.Ltmp3:
0x4e: {  	_ = 	snop;
	(pc) =	sbr.rel .LBB2_2-.Ltmp3, $4  }
0x4f: {  	_ =	swait.ge [sflag:s15], $0x80  }
0x50: {  	[sflag:s15] =	ssyncset.done $0x0  }
0x51: {  	s23 =	sadd.s32 $0x100, s23;
	[sflag:s15] =	ssyncadd.s32 $0xFFFFFF80  }
0x52: {  	[tilespmem:s18], [sflag:$0x2] =	stream.indirect.gather [hbm4b:s5+s16], $0x80, s16, s16, $0xb8;
	[tilespmem:$0x1C180] =	vst v63  }
.LBB2_5:
0x53: {  	_ =	sfence.sel $0x180000  }
0x54: {  	[bflag:$0x0] =	sbarrier.arrive $0xFFFF  }
0x55: {  	p0 =	sne.s32 s3, $0x0;
	_ =	strace $0x9000004A  }
0x56: {  	s0 =	sadd.s32 @!p0 $0x100000, s0;
	[bflag:$0x2] =	sbarrier.arrive $0xFFFF  }
0x57: {  	[sflag:s0] =	ssyncadd.tile.s32 @!p0 $0x1;
	_ =	shalt  }
.Lfunc_end2:
_tile_overlayer_lowered:
.L_overlay_start_2:
0x58: {  	(tag) =	ssettag $0x2  }
0x59: {  	s0 =	rddreg [dreg:$0x0];
	s2 =	stileid.u32  }
0x5a: {  	s1 =	rddreg [dreg:$0x1];
	p0 =	sne.s32 s2, $0x0  }
0x5b: {  	s3 =	rddreg [dreg:$0x2];
	[bflag:$0x3] =	sbarrier.arrive $0xFFFF;
	s2 =	simm.s32 @!p0 $0x1C03  }
0x5c: {  	[timem:s3], [sflag:s2] =	dma.local @!p0 [hbm:s0], s1  }
0x5d: {  	s0 =	simm.s32 @!p0 $0x3  }
0x5e: {  	_ =	swait.ge @!p0 [sflag:s0], s1  }
0x5f: {  	s1 =	ssub.s32 @!p0 $0x0, s1;
	[sflag:s0] =	ssyncset.done @!p0 $0x0  }
0x60: {  	[sflag:s0] =	ssyncadd.s32 @!p0 s1  }
0x61: {  	[bflag:$0x3] =	sbarrier.arrive $0xFFFF  }
0x62: {  	_ =	shalt  }

// kernel: kernel.14.cloned.1.call-start
scs
__scs_entry_jumppad:
0x0: {  	(pc) =	sbr.rel $0x88, $3  }
0x1: {  	(tag) =	ssettag $0x0;
	lr =	simm.s32 $0x1  }
0x2: {  	[smem:$0x3F9B] =	sst lr;
	_ =	strace $0xD0000000  }
0x3: {  	_ = 	snop  }
0x4: {  	_ = 	snop  }
0x5: {  	_ = 	snop  }
0x6: {  	_ = 	snop  }
0x7: {  	_ = 	snop  }
__scs_overlays_trampoline_lowered:
0x8: {  	[smem:$0x3FAA] =	sst s0  }
0x9: {  	[smem:$0x3FAB] =	sst s1  }
0xa: {  	[smem:$0x3FAC] =	sst s2  }
0xb: {  	[smem:$0x3FAD] =	sst s3  }
0xc: {  	[smem:$0x3FAE] =	sst s4  }
0xd: {  	[smem:$0x3FAF] =	sst s5  }
0xe: {  	[smem:$0x3FB0] =	sst s6  }
0xf: {  	[smem:$0x3FB1] =	sst s7  }
0x10: {  	[smem:$0x3FB2] =	sst s8  }
0x11: {  	[smem:$0x3FB3] =	sst s9;
	s0 =	simm.s32 @!p0 $0x0  }
0x12: {  	s1 =	sld [smem:$0x3F99];
	s0 =	simm.s32 @p0 $0x1  }
0x13: {  	[smem:$0x3FB4] =	sst s0;
	s0 =	simm.s32 @!p1 $0x0  }
0x14: {  	s2 =	sld [smem:$0x3F98];
	s0 =	simm.s32 @p1 $0x1  }
0x15: {  	[smem:$0x3FB5] =	sst s0;
	s0 =	simm.s32 @!p2 $0x0  }
0x16: {  	s3 =	sld [smem:$0x3FDB];
	s0 =	simm.s32 @p2 $0x1  }
0x17: {  	s4 =	simm.s32 $0x1BF5;
	[smem:$0x3FB7] =	sst s0  }
0x18: {  	s0 =	sld [smem:$0x3F9A];
	_ =	swait.ge [sflag:s4], $0x0  }
0x19: {  	s7 =	sld [smem:$0x3F9B]  }
0x1a: {  	s8 =	sadd.s32 $0xFFFFE003, lr  }
0x1b: {  	s9 =	sadd.s32 $0xFFFFFEF7, lr;
	s5 =	simm.s32 $0xFFFFFFFF;
	p2 =	slt.u32 s8, $0xFFFFF086  }
0x1c: {  	p1 =	slt.u32 s9, $0xF7A;
	s5 =	simm.s32 @!p2 $0x0  }
0x1d: {  	s5 =	simm.s32 @p1 $0x1;
	p0 =	seq.s32 s7, s2  }
0x1e: {  	s7 =	smul.u32 @!p0 $0xF7A, s2;
	p2 =	seq.s32 @!p0 s5, $0x0  }
0x1f: {  	s9 =	smul.u32 $0xF7A, s1;
	s8 =	simm.s32 @!p0 $0x1BF5;
	p2 =	por !p2, p0  }
0x20: {  	[sflag:s8] =	ssyncset.s32 @!p0 $0xFFFFF086;
	s6 =	sadd.s32 @!p0 s3, s7;
	s7 =	simm.s32 @!p0 $0x108  }
0x21: {  	s3 =	sadd.s32 s3, s9;
	s6 =	sadd.s32 @!p0 $0x88, s6;
	s7 =	simm.s32 @p2 $0x1082  }
0x22: {  	[simem:s7], [sflag:s8] =	dma.local @!p0 [hbm:s6], $0xF7A  }
0x23: {  	s9 =	sor.u32 $0xD0000000, s2;
	s6 =	simm.s32 $0x108;
	_ =	swait.ge @!p0 [sflag:s8], $0x0  }
0x24: {  	s3 =	sadd.s32 $0x88, s3;
	s6 =	simm.s32 @!p1 $0x1082;
	[sflag:s4] =	ssyncset.s32 $0xFFFFF086  }
0x25: {  	[simem:s6], [sflag:s4] =	dma.local [hbm:s3], $0xF7A  }
0x26: {  	[smem:$0x3F9B] =	sst s1;
	(tag) =	ssettag s2;
	_ =	strace s9  }
0x27: {  	s1 =	sld [smem:$0x3FAB]  }
0x28: {  	s2 =	sld [smem:$0x3FAC]  }
0x29: {  	s4 =	sld [smem:$0x3FAE]  }
0x2a: {  	p0 =	seq.s32 s5, $0x0;
	s5 =	sld [smem:$0x3FAF]  }
0x2b: {  	s6 =	sld [smem:$0x3FB0]  }
0x2c: {  	s7 =	sld [smem:$0x3FB1]  }
0x2d: {  	s3 =	simm.s32 $0x108;
	s8 =	sld [smem:$0x3FB2]  }
0x2e: {  	s3 =	simm.s32 @!p0 $0x1082;
	s9 =	sld [smem:$0x3FB3]  }
0x2f: {  	lr =	sadd.s32 s0, s3;
	s0 =	sld [smem:$0x3FAA]  }
0x30: {  	s3 =	sld [smem:$0x3FAD]  }
0x31: {  	[smem:$0x3FB6] =	sst s10  }
0x32: {  	s10 =	sld [smem:$0x3FB4];
	_ =	sdelay $0x3  }
0x33: {  	p0 =	seq.s32 s10, $0x1;
	s10 =	sld [smem:$0x3FB6];
	_ =	sdelay $0x3  }
0x34: {  	[smem:$0x3FB6] =	sst s10  }
0x35: {  	s10 =	sld [smem:$0x3FB5];
	_ =	sdelay $0x3  }
0x36: {  	p1 =	seq.s32 s10, $0x1;
	s10 =	sld [smem:$0x3FB6];
	_ =	sdelay $0x3  }
0x37: {  	[smem:$0x3FB6] =	sst s10  }
0x38: {  	s10 =	sld [smem:$0x3FB7]  }
0x39: {  	_ = 	snop;
	(pc) =	sbr.ind lr, $3  }
0x3a: {  	_ = 	snop  }
0x3b: {  	_ = 	snop  }
0x3c: {  	p2 =	seq.s32 s10, $0x1;
	s10 =	sld [smem:$0x3FB6]  }
0x3d: {  	_ =	shalt  }
0x3e: {  	_ =	shalt  }
0x3f: {  	_ =	shalt  }
0x40: {  	_ =	shalt  }
0x41: {  	_ =	shalt  }
0x42: {  	_ =	shalt  }
0x43: {  	_ =	shalt  }
0x44: {  	_ =	shalt  }
0x45: {  	_ =	shalt  }
0x46: {  	_ =	shalt  }
0x47: {  	_ =	shalt  }
0x48: {  	_ =	shalt  }
0x49: {  	_ =	shalt  }
0x4a: {  	_ =	shalt  }
0x4b: {  	_ =	shalt  }
0x4c: {  	_ =	shalt  }
0x4d: {  	_ =	shalt  }
0x4e: {  	_ =	shalt  }
0x4f: {  	_ =	shalt  }
0x50: {  	_ =	shalt  }
0x51: {  	_ =	shalt  }
0x52: {  	_ =	shalt  }
0x53: {  	_ =	shalt  }
0x54: {  	_ =	shalt  }
0x55: {  	_ =	shalt  }
0x56: {  	_ =	shalt  }
0x57: {  	_ =	shalt  }
0x58: {  	_ =	shalt  }
0x59: {  	_ =	shalt  }
0x5a: {  	_ =	shalt  }
0x5b: {  	_ =	shalt  }
0x5c: {  	_ =	shalt  }
0x5d: {  	_ =	shalt  }
0x5e: {  	_ =	shalt  }
0x5f: {  	_ =	shalt  }
0x60: {  	_ =	shalt  }
0x61: {  	_ =	shalt  }
0x62: {  	_ =	shalt  }
0x63: {  	_ =	shalt  }
0x64: {  	_ =	shalt  }
0x65: {  	_ =	shalt  }
0x66: {  	_ =	shalt  }
0x67: {  	_ =	shalt  }
0x68: {  	_ =	shalt  }
0x69: {  	_ =	shalt  }
0x6a: {  	_ =	shalt  }
0x6b: {  	_ =	shalt  }
0x6c: {  	_ =	shalt  }
0x6d: {  	_ =	shalt  }
0x6e: {  	_ =	shalt  }
0x6f: {  	_ =	shalt  }
0x70: {  	_ =	shalt  }
0x71: {  	_ =	shalt  }
0x72: {  	_ =	shalt  }
0x73: {  	_ =	shalt  }
0x74: {  	_ =	shalt  }
0x75: {  	_ =	shalt  }
0x76: {  	_ =	shalt  }
0x77: {  	_ =	shalt  }
0x78: {  	_ =	shalt  }
0x79: {  	_ =	shalt  }
0x7a: {  	_ =	shalt  }
0x7b: {  	_ =	shalt  }
0x7c: {  	_ =	shalt  }
0x7d: {  	_ =	shalt  }
0x7e: {  	_ =	shalt  }
0x7f: {  	_ =	shalt  }
0x80: {  	_ =	shalt  }
0x81: {  	_ =	shalt  }
0x82: {  	_ =	shalt  }
0x83: {  	_ =	shalt  }
0x84: {  	_ =	shalt  }
0x85: {  	_ =	shalt  }
0x86: {  	_ =	shalt  }
0x87: {  	_ =	shalt  }
.Lfunc_end0:
.L_simem_size_0:
called_computation.2_lowered:
.L_overlay_start_0:
0x88: {  	s2 =	sld [smem:$0x3FD9]  }
0x89: {  	s3 =	sld [smem:$0x3FFE];
	_ =	sdelay $0x1  }
0x8a: {  	s1 =	srdreg.scid  }
0x8b: {  	s0 =	sand.u32 $0x1, s1  }
0x8c: {  	s17 =	sshll.u32 s0, $0xA;
	s2 =	sadd.s32 s3, s2  }
0x8d: {  	s2 =	sadd.s32 s2, s17  }
0x8e: {  	[smem:$0x3FC2] =	sst s2  }
0x8f: {  	_ = 	snop  }
0x90: {  	s2 =	sld [smem:$0x3FD0];
	(tm) =	ssettm $0x1  }
0x91: {  	s18 =	sld [smem:$0x3FFB];
	_ =	sdelay $0x3  }
0x92: {  	_ =	strace s18  }
0x93: {  	s3 =	sld [smem:$0x3FFC];
	_ =	sdelay $0x3  }
0x94: {  	_ =	strace s3  }
0x95: {  	s3 =	sld [smem:$0x3FFD];
	_ =	sdelay $0x3  }
0x96: {  	_ =	strace s3  }
0x97: {  	_ =	strace $0x8FFFFFFF  }
0x98: {  	s19 =	sld [smem:$0x3FDB];
	_ =	sdelay $0x1  }
0x99: {  	s4 =	simm.s32 $_scs_section_size  }
0x9a: {  	s5 =	simm.s32 $_size__tile_overlayer_lowered;
	s6 =	simm.s32 $_tile_overlayer_lowered  }
0x9b: {  	s22 =	simm.s32 $0x1BFF;
	s21 =	sshll.u32 s6, $0x1;
	s3 =	sadd.s32 s4, s19  }
0x9c: {  	s7 =	simm.s32 $0x0;
	s20 =	sshll.u32 s5, $0x1;
	s5 =	sadd.s32 s21, s3  }
0x9d: {  	[timem:s7], [sflag:s22] =	dma.local [hbm:s5], s20  }
0x9e: {  	_ =	swait.ge [sflag:s22], s20  }
0x9f: {  	s4 =	ssub.s32 $0x0, s20;
	[sflag:s22] =	ssyncset.done $0x0  }
0xa0: {  	[sflag:s22] =	ssyncadd.s32 s4;
	_ =	sdelay $0x1  }
0xa1: {  	s23 =	simm.s32 $0x1B8B  }
0xa2: {  	_ =	swait.ge [sflag:s23], $0x1  }
0xa3: {  	[sflag:s23] =	ssyncset.done $0x0  }
0xa4: {  	s25 =	simm.s32 $0x1B8E;
	s24 =	sld [smem:$0x3FFE];
	[sflag:s23] =	ssyncadd.s32 $0xFFFFFFFF  }
0xa5: {  	s26 =	simm.s32 $execute0_lowered;
	[smem:$0x3FD2] =	sst s25  }
0xa6: {  	s5 =	sshll.u32 s26, $0x1;
	_ =	strace $0x8000004C;
	[dreg:$0x1] =	wrdreg $0xFFFFFFFF  }
0xa7: {  	s28 =	simm.s32 $_size_execute0_lowered;
	s3 =	sadd.s32 s3, s5;
	[dreg:$0x0] =	wrdreg $0x0  }
0xa8: {  	s5 =	sshll.u32 s28, $0x1;
	[dreg:$0x2] =	wrdreg s3  }
0xa9: {  	[dreg:$0x3] =	wrdreg s5  }
0xaa: {  	[dreg:$0x4] =	wrdreg $0xC0  }
0xab: {  	_ =	task [dreg:s7], $0x5FFFF  }
0xac: {  	[dreg:$0x1] =	wrdreg $0xFFFFFFFF  }
0xad: {  	[dreg:$0x0] =	wrdreg $0x60  }
0xae: {  	[dreg:$0x2] =	wrdreg s24  }
0xaf: {  	[dreg:$0x3] =	wrdreg s2  }
0xb0: {  	[dreg:$0x4] =	wrdreg $0x81800  }
0xb1: {  	[dreg:$0x5] =	wrdreg $0x9  }
0xb2: {  	_ =	task.clear_ibuf [dreg:s7], $0x6FFFF;
	_ =	strace $0x9000004C  }
0xb3: {  	s29 =	simm.s32 $0x9;
	_ =	strace $0x8000004E  }
0xb4: {  	_ =	swait.ge [sflag:s29], $0x1  }
0xb5: {  	[sflag:s29] =	ssyncadd.s32 $0xFFFFFFFF  }
0xb6: {  	_ =	strace $0x9000004E  }
0xb7: {  	_ =	sfence  }
0xb8: {  	s30 =	sld [smem:$0x0];
	_ =	sdelay $0x2  }
0xb9: {  	s31 =	sshll.u32 s1, $0xD;
	s1 =	sshrl.u32 s1, $0x2  }
0xba: {  	s3 =	sand.u32 $0x4000, s31;
	s1 =	sadd.s32 s1, s30  }
0xbb: {  	s0 =	sor.u32 s3, s0;
	s1 =	sshll.u32 s1, $0x11  }
0xbc: {  	s0 =	sor.u32 s1, s0  }
0xbd: {  	s0 =	sadd.s32 $0x8F2B, s0  }
0xbe: {  	[sflag:s0] =	ssyncadd.remote.s32 $0x1  }
0xbf: {  	_ =	sfence.sel $0xFFFF  }
0xc0: {  	[dreg:$0x0] =	wrdreg $0xFFFFFFFF;
	(pc) =	sbr.abs _section_cstart, $3  }
0xc1: {  	[dreg:$0x1] =	wrdreg $0xFFFFFFFF  }
0xc2: {  	_ =	task.clear_ibuf [dreg:s7], $0x2FFFF;
	_ =	strace $0x9FFFFFFF  }
0xc3: {  	(tm) =	ssettm $0x7FFFFFFF  }
tec
execute0_lowered:
.L_overlay_start_1:
0x0: {  	(tag) =	ssettag $0x1  }
0x1: {  	s9 =	rddreg [dreg:$0x0]  }
0x2: {  	s1 =	rddreg [dreg:$0x1]  }
0x3: {  	s2 =	rddreg [dreg:$0x2]  }
0x4: {  	s3 =	srdreg.scid;
	s0 =	rddreg [dreg:$0x3]  }
0x5: {  	s4 =	simm.s32 $0x0;
	s15 =	simm.s32 $0x3;
	s16 =	simm.s32 $0x80  }
0x6: {  	s17 =	simm.s32 $0x180;
	s18 =	simm.s32 $0x4180;
	s19 =	simm.s32 $0x1  }
0x7: {  	s20 =	simm.s32 $0x100;
	s21 =	simm.s32 $0x2;
	s22 =	simm.s32 $0x0  }
0x8: {  	s7 =	sand.u32 $0x1, s3;
	s3 =	stileid.u32;
	[smem:$0x7FF] =	sst s4  }
0x9: {  	s5 =	sadd.s32 $0xEA00, s9;
	s6 =	sadd.s32 $0x2200, s9;
	s8 =	smul.u32 $0x140000, s7  }
0xa: {  	s10 =	smul.u32 $0x14000, s3;
	_ =	strace $0x8000004D;
	s25 =	sshll.u32 s7, $0x4  }
0xb: {  	s11 =	ssub.s32 $0x2, s7;
	s28 =	smul.u32 $0x50000, s3;
	s26 =	sor.u32 s3, s25  }
0xc: {  	s30 =	sshll.u32 s3, $0x6;
	s13 =	sshrl.u32 s11, $0x1;
	s7 =	smul.u32 $0x2800, s26  }
.Ltmp0:
0xd: {  	s8 =	sadd.s32 s10, s8;
	s13 =	ssub.s32 s11, s13;
	(pc) =	sbr.rel .LBB2_1-.Ltmp0, $4  }
0xe: {  	s29 =	sshrl.u32 s28, $0x2;
	s12 =	sshrl.u32 s8, $0x3;
	s8 =	sadd.s32 $0xC200, s9  }
0xf: {  	s14 =	sadd.s32 s29, s2;
	s13 =	smax.u32 s13, $0x1;
	s31 =	sshrl.u32 s7, $0x3  }
0x10: {  	s12 =	sadd.s32 s12, s9;
	s9 =	sor.u32 $0x1C03, s30;
	s10 =	sadd.s32 s1, s31  }
0x11: {  	s14 =	sshrl.u32 s14, $0x3;
	s12 =	sadd.s32 $0x86A00, s12;
	s11 =	sadd.s32 $0x10, s10  }
.LBB2_4:
0x12: {  	s22 =	sadd.s32 $0x1, s22  }
0x13: {  	p0 =	sne.s32 s22, s13  }
.Ltmp1:
0x14: {  	[bflag:$0x0] =	sbarrier.arrive $0xFFFF;
	(pc) =	sbr.rel @!p0 .LBB2_5-.Ltmp1, $4  }
0x15: {  	[hbm:s12], [sflag:s9] =	dma.local [spmem:s14], $0x2800  }
0x16: {  	_ =	swait.ge [sflag:s15], $0x2800  }
0x17: {  	[sflag:s15] =	ssyncset.done $0x0  }
0x18: {  	[sflag:s15] =	ssyncadd.s32 $0xFFFFD800  }
.LBB2_1:
0x19: {  	[spmem:s14], [sflag:s9] =	dma.local [hbm:s8], $0x2800  }
0x1a: {  	_ =	swait.ge [sflag:s15], $0x2800  }
0x1b: {  	[sflag:s15] =	ssyncset.done $0x0  }
0x1c: {  	[sflag:s15] =	ssyncadd.s32 $0xFFFFD800  }
0x1d: {  	[bflag:$0x0] =	sbarrier.arrive $0xFFFF  }
0x1e: {  	[tilespmem:s4], [sflag:$0x3] =	stream.linear.gather [hbm4b:s10+s4], $0x80, $0x38;
	[tilespmem:$0x1C180] =	vst v63  }
0x1f: {  	_ =	swait.ge [sflag:s15], $0x80  }
0x20: {  	[sflag:s15] =	ssyncset.done $0x0  }
0x21: {  	[sflag:s15] =	ssyncadd.s32 $0xFFFFFF80  }
0x22: {  	[tilespmem:s17], [sflag:$0x1] =	stream.indirect.gather [hbm4b:s5+s16], $0x80, s4, s16, $0xb8;
	[tilespmem:$0x1C180] =	vst v63  }
0x23: {  	_ = 	snop  }
0x24: {  	[tilespmem:s16], [sflag:$0x3] =	stream.linear.gather [hbm4b:s11+s4], $0x80, $0x38;
	[tilespmem:$0x1C180] =	vst v63  }
0x25: {  	_ =	swait.ge [sflag:s15], $0x80  }
0x26: {  	[sflag:s15] =	ssyncset.done $0x0  }
0x27: {  	s23 =	simm.s32 $0x0;
	[sflag:s15] =	ssyncadd.s32 $0xFFFFFF80  }
0x28: {  	[tilespmem:s18], [sflag:$0x2] =	stream.indirect.gather [hbm4b:s5+s16], $0x80, s16, s16, $0xb8;
	[tilespmem:$0x1C180] =	vst v63  }
.LBB2_2:
0x29: {  	s24 =	sand.u32 $0x3C00, s23  }
0x2a: {  	s25 =	sand.u32 $0x300, s23;
	s24 =	sadd.s32 s7, s24  }
0x2b: {  	_ =	swait.ge [sflag:s19], $0x4000;
	s24 =	sor.u32 s25, s24  }
0x2c: {  	[sflag:s19] =	ssyncset.done $0x0;
	s24 =	sshrl.u32 s24, $0x3  }
0x2d: {  	p0 =	seq.s32 s23, $0x2700;
	[sflag:s19] =	ssyncadd.s32 $0xFFFFC000;
	s31 =	sadd.s32 s6, s24  }
0x2e: {  	[tilespmem:s20], [sflag:$0x3] =	stream.linear.gather [hbm4b:s31+s4], $0x80, $0x38;
	[tilespmem:$0x1C180] =	vst v63  }
0x2f: {  	s25 =	sadd.s32 @!p0 $0x100, s23;
	_ =	swait.ge [sflag:s15], $0x80  }
0x30: {  	s26 =	sand.u32 @!p0 $0x7C00, s25;
	[sflag:s15] =	ssyncset.done $0x0  }
0x31: {  	s25 =	sand.u32 @!p0 $0x300, s25;
	s26 =	sadd.s32 @!p0 s7, s26;
	[sflag:s15] =	ssyncadd.s32 $0xFFFFFF80  }
0x32: {  	[spmem:s2] =	stream.indirect.scatter.add.f32 [tilespmem:s17], [sflag:$0x3], $0x80, s20, s16, $0xb8;
	[tilespmem:$0x1C180] =	vst v63  }
0x33: {  	s25 =	sor.u32 @!p0 s25, s26;
	_ =	swait.ge [sflag:s15], $0x4000  }
0x34: {  	s25 =	sshrl.u32 @!p0 s25, $0x3;
	[sflag:s15] =	ssyncset.done $0x0  }
0x35: {  	s26 =	simm.s32 @!p0 $0x0;
	s25 =	sadd.s32 @!p0 s1, s25;
	[sflag:s15] =	ssyncadd.s32 $0xFFFFC000  }
0x36: {  	[tilespmem:s26], [sflag:$0x3] =	stream.linear.gather @!p0 [hbm4b:s25+s26], $0x80, $0x38;
	[tilespmem:$0x1C180] =	vst v63  }
0x37: {  	s25 =	simm.s32 @!p0 $0x3  }
0x38: {  	_ =	swait.ge @!p0 [sflag:s25], $0x80  }
0x39: {  	[sflag:s25] =	ssyncset.done @!p0 $0x0  }
0x3a: {  	s28 =	simm.s32 @!p0 $0x180;
	[sflag:s25] =	ssyncadd.s32 @!p0 $0xFFFFFF80;
	s25 =	simm.s32 @!p0 $0x80  }
0x3b: {  	[tilespmem:s28], [sflag:$0x1] =	stream.indirect.gather @!p0 [hbm4b:s5+s25], $0x80, s26, s25, $0xb8;
	[tilespmem:$0x1C180] =	vst v63  }
0x3c: {  	_ =	swait.ge [sflag:s21], $0x4000  }
0x3d: {  	s24 =	sadd.s32 s24, s6;
	[sflag:s21] =	ssyncset.done $0x0  }
0x3e: {  	s24 =	sadd.s32 $0x10, s24;
	[sflag:s21] =	ssyncadd.s32 $0xFFFFC000  }
0x3f: {  	[tilespmem:s20], [sflag:$0x3] =	stream.linear.gather [hbm4b:s24+s4], $0x80, $0x38;
	[tilespmem:$0x1C180] =	vst v63  }
0x40: {  	_ =	swait.ge [sflag:s15], $0x80  }
0x41: {  	[sflag:s15] =	ssyncset.done $0x0  }
.Ltmp2:
0x42: {  	[sflag:s15] =	ssyncadd.s32 $0xFFFFFF80;
	(pc) =	sbr.rel @p0 .LBB2_4-.Ltmp2, $4  }
0x43: {  	[spmem:s2] =	stream.indirect.scatter.add.f32 [tilespmem:s18], [sflag:$0x3], $0x80, s20, s16, $0xb8;
	[tilespmem:$0x1C180] =	vst v63  }
0x44: {  	_ =	swait.ge [sflag:s15], $0x4000  }
0x45: {  	[sflag:s15] =	ssyncset.done $0x0  }
0x46: {  	[sflag:s15] =	ssyncadd.s32 $0xFFFFC000  }
0x47: {  	s24 =	sadd.s32 $0x180, s23  }
0x48: {  	s25 =	sand.u32 $0x7C00, s24  }
0x49: {  	s24 =	sand.u32 $0x380, s24;
	s25 =	sadd.s32 s7, s25  }
0x4a: {  	s24 =	sor.u32 s24, s25  }
0x4b: {  	s24 =	sshrl.u32 s24, $0x3  }
0x4c: {  	s24 =	sadd.s32 s1, s24  }
0x4d: {  	[tilespmem:s16], [sflag:$0x3] =	stream.linear.gather [hbm4b:s24+s4], $0x80, $0x38;
	[tilespmem:$0x1C180] =	vst v63  }
.Ltmp3:
0x4e: {  	_ = 	snop;
	(pc) =	sbr.rel .LBB2_2-.Ltmp3, $4  }
0x4f: {  	_ =	swait.ge [sflag:s15], $0x80  }
0x50: {  	[sflag:s15] =	ssyncset.done $0x0  }
0x51: {  	s23 =	sadd.s32 $0x100, s23;
	[sflag:s15] =	ssyncadd.s32 $0xFFFFFF80  }
0x52: {  	[tilespmem:s18], [sflag:$0x2] =	stream.indirect.gather [hbm4b:s5+s16], $0x80, s16, s16, $0xb8;
	[tilespmem:$0x1C180] =	vst v63  }
.LBB2_5:
0x53: {  	_ =	sfence.sel $0x180000  }
0x54: {  	[bflag:$0x0] =	sbarrier.arrive $0xFFFF  }
0x55: {  	p0 =	sne.s32 s3, $0x0;
	_ =	strace $0x9000004D  }
0x56: {  	s0 =	sadd.s32 @!p0 $0x100000, s0;
	[bflag:$0x2] =	sbarrier.arrive $0xFFFF  }
0x57: {  	[sflag:s0] =	ssyncadd.tile.s32 @!p0 $0x1;
	_ =	shalt  }
.Lfunc_end2:
_tile_overlayer_lowered:
.L_overlay_start_2:
0x58: {  	(tag) =	ssettag $0x2  }
0x59: {  	s0 =	rddreg [dreg:$0x0];
	s2 =	stileid.u32  }
0x5a: {  	s1 =	rddreg [dreg:$0x1];
	p0 =	sne.s32 s2, $0x0  }
0x5b: {  	s3 =	rddreg [dreg:$0x2];
	[bflag:$0x3] =	sbarrier.arrive $0xFFFF;
	s2 =	simm.s32 @!p0 $0x1C03  }
0x5c: {  	[timem:s3], [sflag:s2] =	dma.local @!p0 [hbm:s0], s1  }
0x5d: {  	s0 =	simm.s32 @!p0 $0x3  }
0x5e: {  	_ =	swait.ge @!p0 [sflag:s0], s1  }
0x5f: {  	s1 =	ssub.s32 @!p0 $0x0, s1;
	[sflag:s0] =	ssyncset.done @!p0 $0x0  }
0x60: {  	[sflag:s0] =	ssyncadd.s32 @!p0 s1  }
0x61: {  	[bflag:$0x3] =	sbarrier.arrive $0xFFFF  }
0x62: {  	_ =	shalt  }

// kernel: kernel.8.cloned.1.call-start
scs
__scs_entry_jumppad:
0x0: {  	(pc) =	sbr.rel $0x88, $3  }
0x1: {  	(tag) =	ssettag $0x0;
	lr =	simm.s32 $0x1  }
0x2: {  	[smem:$0x3F9B] =	sst lr;
	_ =	strace $0xD0000000  }
0x3: {  	_ = 	snop  }
0x4: {  	_ = 	snop  }
0x5: {  	_ = 	snop  }
0x6: {  	_ = 	snop  }
0x7: {  	_ = 	snop  }
__scs_overlays_trampoline_lowered:
0x8: {  	[smem:$0x3FAA] =	sst s0  }
0x9: {  	[smem:$0x3FAB] =	sst s1  }
0xa: {  	[smem:$0x3FAC] =	sst s2  }
0xb: {  	[smem:$0x3FAD] =	sst s3  }
0xc: {  	[smem:$0x3FAE] =	sst s4  }
0xd: {  	[smem:$0x3FAF] =	sst s5  }
0xe: {  	[smem:$0x3FB0] =	sst s6  }
0xf: {  	[smem:$0x3FB1] =	sst s7  }
0x10: {  	[smem:$0x3FB2] =	sst s8  }
0x11: {  	[smem:$0x3FB3] =	sst s9;
	s0 =	simm.s32 @!p0 $0x0  }
0x12: {  	s1 =	sld [smem:$0x3F99];
	s0 =	simm.s32 @p0 $0x1  }
0x13: {  	[smem:$0x3FB4] =	sst s0;
	s0 =	simm.s32 @!p1 $0x0  }
0x14: {  	s2 =	sld [smem:$0x3F98];
	s0 =	simm.s32 @p1 $0x1  }
0x15: {  	[smem:$0x3FB5] =	sst s0;
	s0 =	simm.s32 @!p2 $0x0  }
0x16: {  	s3 =	sld [smem:$0x3FDB];
	s0 =	simm.s32 @p2 $0x1  }
0x17: {  	s4 =	simm.s32 $0x1BF5;
	[smem:$0x3FB7] =	sst s0  }
0x18: {  	s0 =	sld [smem:$0x3F9A];
	_ =	swait.ge [sflag:s4], $0x0  }
0x19: {  	s7 =	sld [smem:$0x3F9B]  }
0x1a: {  	s8 =	sadd.s32 $0xFFFFE003, lr  }
0x1b: {  	s9 =	sadd.s32 $0xFFFFFEF7, lr;
	s5 =	simm.s32 $0xFFFFFFFF;
	p2 =	slt.u32 s8, $0xFFFFF086  }
0x1c: {  	p1 =	slt.u32 s9, $0xF7A;
	s5 =	simm.s32 @!p2 $0x0  }
0x1d: {  	s5 =	simm.s32 @p1 $0x1;
	p0 =	seq.s32 s7, s2  }
0x1e: {  	s7 =	smul.u32 @!p0 $0xF7A, s2;
	p2 =	seq.s32 @!p0 s5, $0x0  }
0x1f: {  	s9 =	smul.u32 $0xF7A, s1;
	s8 =	simm.s32 @!p0 $0x1BF5;
	p2 =	por !p2, p0  }
0x20: {  	[sflag:s8] =	ssyncset.s32 @!p0 $0xFFFFF086;
	s6 =	sadd.s32 @!p0 s3, s7;
	s7 =	simm.s32 @!p0 $0x108  }
0x21: {  	s3 =	sadd.s32 s3, s9;
	s6 =	sadd.s32 @!p0 $0x88, s6;
	s7 =	simm.s32 @p2 $0x1082  }
0x22: {  	[simem:s7], [sflag:s8] =	dma.local @!p0 [hbm:s6], $0xF7A  }
0x23: {  	s9 =	sor.u32 $0xD0000000, s2;
	s6 =	simm.s32 $0x108;
	_ =	swait.ge @!p0 [sflag:s8], $0x0  }
0x24: {  	s3 =	sadd.s32 $0x88, s3;
	s6 =	simm.s32 @!p1 $0x1082;
	[sflag:s4] =	ssyncset.s32 $0xFFFFF086  }
0x25: {  	[simem:s6], [sflag:s4] =	dma.local [hbm:s3], $0xF7A  }
0x26: {  	[smem:$0x3F9B] =	sst s1;
	(tag) =	ssettag s2;
	_ =	strace s9  }
0x27: {  	s1 =	sld [smem:$0x3FAB]  }
0x28: {  	s2 =	sld [smem:$0x3FAC]  }
0x29: {  	s4 =	sld [smem:$0x3FAE]  }
0x2a: {  	p0 =	seq.s32 s5, $0x0;
	s5 =	sld [smem:$0x3FAF]  }
0x2b: {  	s6 =	sld [smem:$0x3FB0]  }
0x2c: {  	s7 =	sld [smem:$0x3FB1]  }
0x2d: {  	s3 =	simm.s32 $0x108;
	s8 =	sld [smem:$0x3FB2]  }
0x2e: {  	s3 =	simm.s32 @!p0 $0x1082;
	s9 =	sld [smem:$0x3FB3]  }
0x2f: {  	lr =	sadd.s32 s0, s3;
	s0 =	sld [smem:$0x3FAA]  }
0x30: {  	s3 =	sld [smem:$0x3FAD]  }
0x31: {  	[smem:$0x3FB6] =	sst s10  }
0x32: {  	s10 =	sld [smem:$0x3FB4];
	_ =	sdelay $0x3  }
0x33: {  	p0 =	seq.s32 s10, $0x1;
	s10 =	sld [smem:$0x3FB6];
	_ =	sdelay $0x3  }
0x34: {  	[smem:$0x3FB6] =	sst s10  }
0x35: {  	s10 =	sld [smem:$0x3FB5];
	_ =	sdelay $0x3  }
0x36: {  	p1 =	seq.s32 s10, $0x1;
	s10 =	sld [smem:$0x3FB6];
	_ =	sdelay $0x3  }
0x37: {  	[smem:$0x3FB6] =	sst s10  }
0x38: {  	s10 =	sld [smem:$0x3FB7]  }
0x39: {  	_ = 	snop;
	(pc) =	sbr.ind lr, $3  }
0x3a: {  	_ = 	snop  }
0x3b: {  	_ = 	snop  }
0x3c: {  	p2 =	seq.s32 s10, $0x1;
	s10 =	sld [smem:$0x3FB6]  }
0x3d: {  	_ =	shalt  }
0x3e: {  	_ =	shalt  }
0x3f: {  	_ =	shalt  }
0x40: {  	_ =	shalt  }
0x41: {  	_ =	shalt  }
0x42: {  	_ =	shalt  }
0x43: {  	_ =	shalt  }
0x44: {  	_ =	shalt  }
0x45: {  	_ =	shalt  }
0x46: {  	_ =	shalt  }
0x47: {  	_ =	shalt  }
0x48: {  	_ =	shalt  }
0x49: {  	_ =	shalt  }
0x4a: {  	_ =	shalt  }
0x4b: {  	_ =	shalt  }
0x4c: {  	_ =	shalt  }
0x4d: {  	_ =	shalt  }
0x4e: {  	_ =	shalt  }
0x4f: {  	_ =	shalt  }
0x50: {  	_ =	shalt  }
0x51: {  	_ =	shalt  }
0x52: {  	_ =	shalt  }
0x53: {  	_ =	shalt  }
0x54: {  	_ =	shalt  }
0x55: {  	_ =	shalt  }
0x56: {  	_ =	shalt  }
0x57: {  	_ =	shalt  }
0x58: {  	_ =	shalt  }
0x59: {  	_ =	shalt  }
0x5a: {  	_ =	shalt  }
0x5b: {  	_ =	shalt  }
0x5c: {  	_ =	shalt  }
0x5d: {  	_ =	shalt  }
0x5e: {  	_ =	shalt  }
0x5f: {  	_ =	shalt  }
0x60: {  	_ =	shalt  }
0x61: {  	_ =	shalt  }
0x62: {  	_ =	shalt  }
0x63: {  	_ =	shalt  }
0x64: {  	_ =	shalt  }
0x65: {  	_ =	shalt  }
0x66: {  	_ =	shalt  }
0x67: {  	_ =	shalt  }
0x68: {  	_ =	shalt  }
0x69: {  	_ =	shalt  }
0x6a: {  	_ =	shalt  }
0x6b: {  	_ =	shalt  }
0x6c: {  	_ =	shalt  }
0x6d: {  	_ =	shalt  }
0x6e: {  	_ =	shalt  }
0x6f: {  	_ =	shalt  }
0x70: {  	_ =	shalt  }
0x71: {  	_ =	shalt  }
0x72: {  	_ =	shalt  }
0x73: {  	_ =	shalt  }
0x74: {  	_ =	shalt  }
0x75: {  	_ =	shalt  }
0x76: {  	_ =	shalt  }
0x77: {  	_ =	shalt  }
0x78: {  	_ =	shalt  }
0x79: {  	_ =	shalt  }
0x7a: {  	_ =	shalt  }
0x7b: {  	_ =	shalt  }
0x7c: {  	_ =	shalt  }
0x7d: {  	_ =	shalt  }
0x7e: {  	_ =	shalt  }
0x7f: {  	_ =	shalt  }
0x80: {  	_ =	shalt  }
0x81: {  	_ =	shalt  }
0x82: {  	_ =	shalt  }
0x83: {  	_ =	shalt  }
0x84: {  	_ =	shalt  }
0x85: {  	_ =	shalt  }
0x86: {  	_ =	shalt  }
0x87: {  	_ =	shalt  }
.Lfunc_end0:
.L_simem_size_0:
called_computation_lowered:
.L_overlay_start_0:
0x88: {  	s2 =	sld [smem:$0x3FD9]  }
0x89: {  	s3 =	sld [smem:$0x3FFE];
	_ =	sdelay $0x1  }
0x8a: {  	s1 =	srdreg.scid  }
0x8b: {  	s0 =	sand.u32 $0x1, s1  }
0x8c: {  	s17 =	sshll.u32 s0, $0xA;
	s2 =	sadd.s32 s3, s2  }
0x8d: {  	s2 =	sadd.s32 s2, s17  }
0x8e: {  	[smem:$0x3FC2] =	sst s2  }
0x8f: {  	_ = 	snop  }
0x90: {  	s2 =	sld [smem:$0x3FD0];
	(tm) =	ssettm $0x1  }
0x91: {  	s18 =	sld [smem:$0x3FFB];
	_ =	sdelay $0x3  }
0x92: {  	_ =	strace s18  }
0x93: {  	s3 =	sld [smem:$0x3FFC];
	_ =	sdelay $0x3  }
0x94: {  	_ =	strace s3  }
0x95: {  	s3 =	sld [smem:$0x3FFD];
	_ =	sdelay $0x3  }
0x96: {  	_ =	strace s3  }
0x97: {  	_ =	strace $0x8FFFFFFF  }
0x98: {  	s19 =	sld [smem:$0x3FDB];
	_ =	sdelay $0x1  }
0x99: {  	s4 =	simm.s32 $_scs_section_size  }
0x9a: {  	s5 =	simm.s32 $_size__tile_overlayer_lowered;
	s6 =	simm.s32 $_tile_overlayer_lowered  }
0x9b: {  	s22 =	simm.s32 $0x1BFF;
	s21 =	sshll.u32 s6, $0x1;
	s3 =	sadd.s32 s4, s19  }
0x9c: {  	s7 =	simm.s32 $0x0;
	s20 =	sshll.u32 s5, $0x1;
	s5 =	sadd.s32 s21, s3  }
0x9d: {  	[timem:s7], [sflag:s22] =	dma.local [hbm:s5], s20  }
0x9e: {  	_ =	swait.ge [sflag:s22], s20  }
0x9f: {  	s4 =	ssub.s32 $0x0, s20;
	[sflag:s22] =	ssyncset.done $0x0  }
0xa0: {  	[sflag:s22] =	ssyncadd.s32 s4;
	_ =	sdelay $0x1  }
0xa1: {  	s23 =	simm.s32 $0x1B8B  }
0xa2: {  	_ =	swait.ge [sflag:s23], $0x1  }
0xa3: {  	[sflag:s23] =	ssyncset.done $0x0  }
0xa4: {  	s25 =	simm.s32 $0x1B8E;
	s24 =	sld [smem:$0x3FFE];
	[sflag:s23] =	ssyncadd.s32 $0xFFFFFFFF  }
0xa5: {  	s26 =	simm.s32 $execute0_lowered;
	[smem:$0x3FD2] =	sst s25  }
0xa6: {  	s5 =	sshll.u32 s26, $0x1;
	_ =	strace $0x80000046;
	[dreg:$0x1] =	wrdreg $0xFFFFFFFF  }
0xa7: {  	s28 =	simm.s32 $_size_execute0_lowered;
	s3 =	sadd.s32 s3, s5;
	[dreg:$0x0] =	wrdreg $0x0  }
0xa8: {  	s5 =	sshll.u32 s28, $0x1;
	[dreg:$0x2] =	wrdreg s3  }
0xa9: {  	[dreg:$0x3] =	wrdreg s5  }
0xaa: {  	[dreg:$0x4] =	wrdreg $0xC0  }
0xab: {  	_ =	task [dreg:s7], $0x5FFFF  }
0xac: {  	[dreg:$0x1] =	wrdreg $0xFFFFFFFF  }
0xad: {  	[dreg:$0x0] =	wrdreg $0x60  }
0xae: {  	[dreg:$0x2] =	wrdreg s24  }
0xaf: {  	[dreg:$0x3] =	wrdreg s2  }
0xb0: {  	[dreg:$0x4] =	wrdreg $0x81800  }
0xb1: {  	[dreg:$0x5] =	wrdreg $0x9  }
0xb2: {  	_ =	task.clear_ibuf [dreg:s7], $0x6FFFF;
	_ =	strace $0x90000046  }
0xb3: {  	s29 =	simm.s32 $0x9;
	_ =	strace $0x80000048  }
0xb4: {  	_ =	swait.ge [sflag:s29], $0x1  }
0xb5: {  	[sflag:s29] =	ssyncadd.s32 $0xFFFFFFFF  }
0xb6: {  	_ =	strace $0x90000048  }
0xb7: {  	_ =	sfence  }
0xb8: {  	s30 =	sld [smem:$0x0];
	_ =	sdelay $0x2  }
0xb9: {  	s31 =	sshll.u32 s1, $0xD;
	s1 =	sshrl.u32 s1, $0x2  }
0xba: {  	s3 =	sand.u32 $0x4000, s31;
	s1 =	sadd.s32 s1, s30  }
0xbb: {  	s0 =	sor.u32 s3, s0;
	s1 =	sshll.u32 s1, $0x11  }
0xbc: {  	s0 =	sor.u32 s1, s0  }
0xbd: {  	s0 =	sadd.s32 $0x8F2B, s0  }
0xbe: {  	[sflag:s0] =	ssyncadd.remote.s32 $0x1  }
0xbf: {  	_ =	sfence.sel $0xFFFF  }
0xc0: {  	[dreg:$0x0] =	wrdreg $0xFFFFFFFF;
	(pc) =	sbr.abs _section_cstart, $3  }
0xc1: {  	[dreg:$0x1] =	wrdreg $0xFFFFFFFF  }
0xc2: {  	_ =	task.clear_ibuf [dreg:s7], $0x2FFFF;
	_ =	strace $0x9FFFFFFF  }
0xc3: {  	(tm) =	ssettm $0x7FFFFFFF  }
tec
execute0_lowered:
.L_overlay_start_1:
0x0: {  	(tag) =	ssettag $0x1  }
0x1: {  	s9 =	rddreg [dreg:$0x0]  }
0x2: {  	s1 =	rddreg [dreg:$0x1]  }
0x3: {  	s2 =	rddreg [dreg:$0x2]  }
0x4: {  	s3 =	srdreg.scid;
	s0 =	rddreg [dreg:$0x3]  }
0x5: {  	s4 =	simm.s32 $0x0;
	s15 =	simm.s32 $0x3;
	s16 =	simm.s32 $0x80  }
0x6: {  	s17 =	simm.s32 $0x180;
	s18 =	simm.s32 $0x4180;
	s19 =	simm.s32 $0x1  }
0x7: {  	s20 =	simm.s32 $0x100;
	s21 =	simm.s32 $0x2;
	s22 =	simm.s32 $0x0  }
0x8: {  	s7 =	sand.u32 $0x1, s3;
	s3 =	stileid.u32;
	[smem:$0x7FF] =	sst s4  }
0x9: {  	s5 =	sadd.s32 $0xEA00, s9;
	s6 =	sadd.s32 $0x2200, s9;
	s8 =	smul.u32 $0x140000, s7  }
0xa: {  	s10 =	smul.u32 $0x14000, s3;
	_ =	strace $0x80000047;
	s25 =	sshll.u32 s7, $0x4  }
0xb: {  	s11 =	ssub.s32 $0x2, s7;
	s28 =	smul.u32 $0x50000, s3;
	s26 =	sor.u32 s3, s25  }
0xc: {  	s30 =	sshll.u32 s3, $0x6;
	s13 =	sshrl.u32 s11, $0x1;
	s7 =	smul.u32 $0x2800, s26  }
.Ltmp0:
0xd: {  	s8 =	sadd.s32 s10, s8;
	s13 =	ssub.s32 s11, s13;
	(pc) =	sbr.rel .LBB2_1-.Ltmp0, $4  }
0xe: {  	s29 =	sshrl.u32 s28, $0x2;
	s12 =	sshrl.u32 s8, $0x3;
	s8 =	sadd.s32 $0xC200, s9  }
0xf: {  	s14 =	sadd.s32 s29, s2;
	s13 =	smax.u32 s13, $0x1;
	s31 =	sshrl.u32 s7, $0x3  }
0x10: {  	s12 =	sadd.s32 s12, s9;
	s9 =	sor.u32 $0x1C03, s30;
	s10 =	sadd.s32 s1, s31  }
0x11: {  	s14 =	sshrl.u32 s14, $0x3;
	s12 =	sadd.s32 $0x36A00, s12;
	s11 =	sadd.s32 $0x10, s10  }
.LBB2_4:
0x12: {  	s22 =	sadd.s32 $0x1, s22  }
0x13: {  	p0 =	sne.s32 s22, s13  }
.Ltmp1:
0x14: {  	[bflag:$0x0] =	sbarrier.arrive $0xFFFF;
	(pc) =	sbr.rel @!p0 .LBB2_5-.Ltmp1, $4  }
0x15: {  	[hbm:s12], [sflag:s9] =	dma.local [spmem:s14], $0x2800  }
0x16: {  	_ =	swait.ge [sflag:s15], $0x2800  }
0x17: {  	[sflag:s15] =	ssyncset.done $0x0  }
0x18: {  	[sflag:s15] =	ssyncadd.s32 $0xFFFFD800  }
.LBB2_1:
0x19: {  	[spmem:s14], [sflag:s9] =	dma.local [hbm:s8], $0x2800  }
0x1a: {  	_ =	swait.ge [sflag:s15], $0x2800  }
0x1b: {  	[sflag:s15] =	ssyncset.done $0x0  }
0x1c: {  	[sflag:s15] =	ssyncadd.s32 $0xFFFFD800  }
0x1d: {  	[bflag:$0x0] =	sbarrier.arrive $0xFFFF  }
0x1e: {  	[tilespmem:s4], [sflag:$0x3] =	stream.linear.gather [hbm4b:s10+s4], $0x80, $0x38;
	[tilespmem:$0x1C180] =	vst v63  }
0x1f: {  	_ =	swait.ge [sflag:s15], $0x80  }
0x20: {  	[sflag:s15] =	ssyncset.done $0x0  }
0x21: {  	[sflag:s15] =	ssyncadd.s32 $0xFFFFFF80  }
0x22: {  	[tilespmem:s17], [sflag:$0x1] =	stream.indirect.gather [hbm4b:s5+s16], $0x80, s4, s16, $0xb8;
	[tilespmem:$0x1C180] =	vst v63  }
0x23: {  	_ = 	snop  }
0x24: {  	[tilespmem:s16], [sflag:$0x3] =	stream.linear.gather [hbm4b:s11+s4], $0x80, $0x38;
	[tilespmem:$0x1C180] =	vst v63  }
0x25: {  	_ =	swait.ge [sflag:s15], $0x80  }
0x26: {  	[sflag:s15] =	ssyncset.done $0x0  }
0x27: {  	s23 =	simm.s32 $0x0;
	[sflag:s15] =	ssyncadd.s32 $0xFFFFFF80  }
0x28: {  	[tilespmem:s18], [sflag:$0x2] =	stream.indirect.gather [hbm4b:s5+s16], $0x80, s16, s16, $0xb8;
	[tilespmem:$0x1C180] =	vst v63  }
.LBB2_2:
0x29: {  	s24 =	sand.u32 $0x3C00, s23  }
0x2a: {  	s25 =	sand.u32 $0x300, s23;
	s24 =	sadd.s32 s7, s24  }
0x2b: {  	_ =	swait.ge [sflag:s19], $0x4000;
	s24 =	sor.u32 s25, s24  }
0x2c: {  	[sflag:s19] =	ssyncset.done $0x0;
	s24 =	sshrl.u32 s24, $0x3  }
0x2d: {  	p0 =	seq.s32 s23, $0x2700;
	[sflag:s19] =	ssyncadd.s32 $0xFFFFC000;
	s31 =	sadd.s32 s6, s24  }
0x2e: {  	[tilespmem:s20], [sflag:$0x3] =	stream.linear.gather [hbm4b:s31+s4], $0x80, $0x38;
	[tilespmem:$0x1C180] =	vst v63  }
0x2f: {  	s25 =	sadd.s32 @!p0 $0x100, s23;
	_ =	swait.ge [sflag:s15], $0x80  }
0x30: {  	s26 =	sand.u32 @!p0 $0x7C00, s25;
	[sflag:s15] =	ssyncset.done $0x0  }
0x31: {  	s25 =	sand.u32 @!p0 $0x300, s25;
	s26 =	sadd.s32 @!p0 s7, s26;
	[sflag:s15] =	ssyncadd.s32 $0xFFFFFF80  }
0x32: {  	[spmem:s2] =	stream.indirect.scatter.add.f32 [tilespmem:s17], [sflag:$0x3], $0x80, s20, s16, $0xb8;
	[tilespmem:$0x1C180] =	vst v63  }
0x33: {  	s25 =	sor.u32 @!p0 s25, s26;
	_ =	swait.ge [sflag:s15], $0x4000  }
0x34: {  	s25 =	sshrl.u32 @!p0 s25, $0x3;
	[sflag:s15] =	ssyncset.done $0x0  }
0x35: {  	s26 =	simm.s32 @!p0 $0x0;
	s25 =	sadd.s32 @!p0 s1, s25;
	[sflag:s15] =	ssyncadd.s32 $0xFFFFC000  }
0x36: {  	[tilespmem:s26], [sflag:$0x3] =	stream.linear.gather @!p0 [hbm4b:s25+s26], $0x80, $0x38;
	[tilespmem:$0x1C180] =	vst v63  }
0x37: {  	s25 =	simm.s32 @!p0 $0x3  }
0x38: {  	_ =	swait.ge @!p0 [sflag:s25], $0x80  }
0x39: {  	[sflag:s25] =	ssyncset.done @!p0 $0x0  }
0x3a: {  	s28 =	simm.s32 @!p0 $0x180;
	[sflag:s25] =	ssyncadd.s32 @!p0 $0xFFFFFF80;
	s25 =	simm.s32 @!p0 $0x80  }
0x3b: {  	[tilespmem:s28], [sflag:$0x1] =	stream.indirect.gather @!p0 [hbm4b:s5+s25], $0x80, s26, s25, $0xb8;
	[tilespmem:$0x1C180] =	vst v63  }
0x3c: {  	_ =	swait.ge [sflag:s21], $0x4000  }
0x3d: {  	s24 =	sadd.s32 s24, s6;
	[sflag:s21] =	ssyncset.done $0x0  }
0x3e: {  	s24 =	sadd.s32 $0x10, s24;
	[sflag:s21] =	ssyncadd.s32 $0xFFFFC000  }
0x3f: {  	[tilespmem:s20], [sflag:$0x3] =	stream.linear.gather [hbm4b:s24+s4], $0x80, $0x38;
	[tilespmem:$0x1C180] =	vst v63  }
0x40: {  	_ =	swait.ge [sflag:s15], $0x80  }
0x41: {  	[sflag:s15] =	ssyncset.done $0x0  }
.Ltmp2:
0x42: {  	[sflag:s15] =	ssyncadd.s32 $0xFFFFFF80;
	(pc) =	sbr.rel @p0 .LBB2_4-.Ltmp2, $4  }
0x43: {  	[spmem:s2] =	stream.indirect.scatter.add.f32 [tilespmem:s18], [sflag:$0x3], $0x80, s20, s16, $0xb8;
	[tilespmem:$0x1C180] =	vst v63  }
0x44: {  	_ =	swait.ge [sflag:s15], $0x4000  }
0x45: {  	[sflag:s15] =	ssyncset.done $0x0  }
0x46: {  	[sflag:s15] =	ssyncadd.s32 $0xFFFFC000  }
0x47: {  	s24 =	sadd.s32 $0x180, s23  }
0x48: {  	s25 =	sand.u32 $0x7C00, s24  }
0x49: {  	s24 =	sand.u32 $0x380, s24;
	s25 =	sadd.s32 s7, s25  }
0x4a: {  	s24 =	sor.u32 s24, s25  }
0x4b: {  	s24 =	sshrl.u32 s24, $0x3  }
0x4c: {  	s24 =	sadd.s32 s1, s24  }
0x4d: {  	[tilespmem:s16], [sflag:$0x3] =	stream.linear.gather [hbm4b:s24+s4], $0x80, $0x38;
	[tilespmem:$0x1C180] =	vst v63  }
.Ltmp3:
0x4e: {  	_ = 	snop;
	(pc) =	sbr.rel .LBB2_2-.Ltmp3, $4  }
0x4f: {  	_ =	swait.ge [sflag:s15], $0x80  }
0x50: {  	[sflag:s15] =	ssyncset.done $0x0  }
0x51: {  	s23 =	sadd.s32 $0x100, s23;
	[sflag:s15] =	ssyncadd.s32 $0xFFFFFF80  }
0x52: {  	[tilespmem:s18], [sflag:$0x2] =	stream.indirect.gather [hbm4b:s5+s16], $0x80, s16, s16, $0xb8;
	[tilespmem:$0x1C180] =	vst v63  }
.LBB2_5:
0x53: {  	_ =	sfence.sel $0x180000  }
0x54: {  	[bflag:$0x0] =	sbarrier.arrive $0xFFFF  }
0x55: {  	p0 =	sne.s32 s3, $0x0;
	_ =	strace $0x90000047  }
0x56: {  	s0 =	sadd.s32 @!p0 $0x100000, s0;
	[bflag:$0x2] =	sbarrier.arrive $0xFFFF  }
0x57: {  	[sflag:s0] =	ssyncadd.tile.s32 @!p0 $0x1;
	_ =	shalt  }
.Lfunc_end2:
_tile_overlayer_lowered:
.L_overlay_start_2:
0x58: {  	(tag) =	ssettag $0x2  }
0x59: {  	s0 =	rddreg [dreg:$0x0];
	s2 =	stileid.u32  }
0x5a: {  	s1 =	rddreg [dreg:$0x1];
	p0 =	sne.s32 s2, $0x0  }
0x5b: {  	s3 =	rddreg [dreg:$0x2];
	[bflag:$0x3] =	sbarrier.arrive $0xFFFF;
	s2 =	simm.s32 @!p0 $0x1C03  }
0x5c: {  	[timem:s3], [sflag:s2] =	dma.local @!p0 [hbm:s0], s1  }
0x5d: {  	s0 =	simm.s32 @!p0 $0x3  }
0x5e: {  	_ =	swait.ge @!p0 [sflag:s0], s1  }
0x5f: {  	s1 =	ssub.s32 @!p0 $0x0, s1;
	[sflag:s0] =	ssyncset.done @!p0 $0x0  }
0x60: {  	[sflag:s0] =	ssyncadd.s32 @!p0 s1  }
0x61: {  	[bflag:$0x3] =	sbarrier.arrive $0xFFFF  }
0x62: {  	_ =	shalt  }

</sc_bundles>
